<compile_context>
chip_gen: v7x
topology: tpu7x:2x2x1
jax: 0.10.2.dev20260603
libtpu: 0.0.44.dev20260713+nightly
codegen_flags: <defaults>
</compile_context>

<pallas_src>
import jax
import jax.numpy as jnp
from jax import lax
from jax.experimental import pallas as pl
from jax.experimental.pallas import tpu as pltpu
from jax.experimental.pallas import tpu_sc as plsc

ROWS, COLS = 4096, 200
EMB_DIM = 64
PAD_DIM = 128
VOCAB = 1000000
B = ROWS * COLS
NC, NS = 2, 16
NW = NC * NS
B_PER_W = B // NW
CHUNK = 128
N_CHUNKS = B_PER_W // CHUNK
NBUF = 10
N_OUTER = N_CHUNKS // NBUF


def _gather_body(x_hbm, table_hbm, out_hbm, idx_v, rows_v, *sems):
    wid = lax.axis_index("s") * NC + lax.axis_index("c")
    base = wid * B_PER_W
    pltpu.sync_copy(x_hbm.at[pl.ds(wid * N_CHUNKS, N_CHUNKS)], idx_v)

    def fire(c, slot):
        return pltpu.async_copy(
            table_hbm.at[idx_v.at[c]], rows_v.at[slot], sems[slot]
        )

    for b in range(NBUF - 1):
        fire(b, b)

    def outer(t, carry):
        for b in range(NBUF):
            c = t * NBUF + b
            nxt = c + NBUF - 1

            @pl.when(nxt < N_CHUNKS)
            def _():
                fire(nxt, (b + NBUF - 1) % NBUF)

            pltpu.make_async_copy(
                table_hbm.at[idx_v.at[c]], rows_v.at[b], sems[b]
            ).wait()
            pltpu.sync_copy(
                rows_v.at[b],
                out_hbm.at[pl.ds(base + c * CHUNK, CHUNK), pl.ds(0, EMB_DIM)],
            )
        return carry

    lax.fori_loop(0, N_OUTER, outer, 0)


@jax.jit
def _embed(x2d, table):
    mesh = plsc.VectorSubcoreMesh(core_axis_name="c", subcore_axis_name="s")
    gather = pl.kernel(
        _gather_body,
        out_type=jax.ShapeDtypeStruct((B, PAD_DIM), jnp.float32),
        mesh=mesh,
        scratch_types=[
            pltpu.VMEM((N_CHUNKS, CHUNK), jnp.int32),
            pltpu.VMEM((NBUF, CHUNK, EMB_DIM), jnp.float32),
        ]
        + [pltpu.SemaphoreType.DMA] * NBUF,
        compiler_params=pltpu.CompilerParams(use_tc_tiling_on_sc=False),
    )
    return gather(x2d, table)


def kernel(x, table):
    x2d = x.reshape(B // CHUNK, CHUNK)
    out = _embed(x2d, table)
    return out[:, :EMB_DIM].reshape(ROWS, COLS, EMB_DIM)

# --- scband reference (transcript-rebuilt; emitter-appended) ---
"""Pipeline reference for scband-word-embedding-68367289417815 (READ-ONLY COPY).

The authoritative reference and input builder live on the scoring server;
editing this copy changes nothing except your own understanding.
"""

import jax, jax.numpy as jnp
import numpy as np

VOCAB = 1000000
EMB_DIM = 64
PAD_IDX = 0

def setup_inputs(seed: int = 0) -> dict:
    key = jax.random.key(seed)
    k1, k2 = jax.random.split(key)
    x = jax.random.randint(k1, (4096, 200), 0, VOCAB, dtype=jnp.int64 if jax.config.jax_enable_x64 else jnp.int32).astype(jnp.int32)
    table = jax.random.normal(k2, (VOCAB, EMB_DIM), dtype=jnp.float32)
    # padding_idx row initialized to zeros, matching nn.Embedding(padding_idx=...)
    table = table.at[PAD_IDX].set(0.0)
    return {"x": x, "table": table}

def reference(x, table):
    # Faithful to nn.Embedding forward: row gather; padding row is zero.
    table_eff = table.at[PAD_IDX].set(0.0)
    embed = jnp.take(table_eff, x, axis=0)
    return embed

if __name__ == "__main__":
    import jax
    _d = setup_inputs()
    print(jax.jit(kernel)(*tuple(_d.values())))

</pallas_src>

<mosaic_0001>
#map = affine_map<(d0, d1) -> (0, 0)>
module attributes {stable_mosaic.version = 14 : i64} {
  func.func @_gather_body(%arg0: i32, %arg1: i32, %arg2: memref<6400x128xi32, #tpu.memory_space<hbm>>, %arg3: memref<1000000x64xf32, #tpu.memory_space<hbm>>, %arg4: memref<819200x128xf32, #tpu.memory_space<hbm>>, %arg5: memref<200x128xi32, #tpu.memory_space<vmem>>, %arg6: memref<10x128x64xf32, #tpu.memory_space<vmem>>, %arg7: memref<!tpu.dma_semaphore, #tpu.memory_space<semaphore_mem>>, %arg8: memref<!tpu.dma_semaphore, #tpu.memory_space<semaphore_mem>>, %arg9: memref<!tpu.dma_semaphore, #tpu.memory_space<semaphore_mem>>, %arg10: memref<!tpu.dma_semaphore, #tpu.memory_space<semaphore_mem>>, %arg11: memref<!tpu.dma_semaphore, #tpu.memory_space<semaphore_mem>>, %arg12: memref<!tpu.dma_semaphore, #tpu.memory_space<semaphore_mem>>, %arg13: memref<!tpu.dma_semaphore, #tpu.memory_space<semaphore_mem>>, %arg14: memref<!tpu.dma_semaphore, #tpu.memory_space<semaphore_mem>>, %arg15: memref<!tpu.dma_semaphore, #tpu.memory_space<semaphore_mem>>, %arg16: memref<!tpu.dma_semaphore, #tpu.memory_space<semaphore_mem>>) attributes {dimension_semantics = [#tpu.dimension_semantics<core_parallel>, #tpu.dimension_semantics<subcore_parallel>], iteration_bounds = array<i64: 2, 16>, scalar_prefetch = 0 : i64, scratch_operands = 12 : i64, tpu.core_type = #tpu.core_type<sc_vector_subcore>, window_params = [{transform_indices = #map}, {transform_indices = #map}, {transform_indices = #map}]} {
    %mul3A = arith.constant 2 : i32
    %mul3A_0 = arith.muli %arg1, %mul3A : i32
    %add3A = arith.addi %mul3A_0, %arg0 : i32
    %mul3A_1 = arith.constant 25600 : i32
    %mul3A_2 = arith.muli %add3A, %mul3A_1 : i32
    %mul3A_3 = arith.constant 200 : i32
    %mul3A_4 = arith.muli %add3A, %mul3A_3 : i32
    "tpu.region"() ({
      %run_scoped3A = tpu.sem_alloc : memref<!tpu.dma_semaphore, #tpu.memory_space<semaphore_mem>>
      %dma_start3A_117 = arith.constant 0 : i32
      %dma_start3A_118 = tpu.memref_slice %arg2[%mul3A_4, %dma_start3A_117] : memref<6400x128xi32, #tpu.memory_space<hbm>> -> memref<200x128xi32, #tpu.memory_space<hbm>>
      %dma_start3A_119 = arith.constant 0 : i32
      %dma_start3A_120 = tpu.memref_slice %arg2[%mul3A_4, %dma_start3A_119] : memref<6400x128xi32, #tpu.memory_space<hbm>> -> memref<200x128xi32, #tpu.memory_space<hbm>>
      tpu.enqueue_dma source(%dma_start3A_120 : memref<200x128xi32, #tpu.memory_space<hbm>>) target(%arg5 : memref<200x128xi32, #tpu.memory_space<vmem>>) target_semaphore(%run_scoped3A : memref<!tpu.dma_semaphore, #tpu.memory_space<semaphore_mem>>)
      %dma_wait3A = arith.constant 0 : i32
      %dma_wait3A_121 = tpu.memref_slice %arg2[%mul3A_4, %dma_wait3A] : memref<6400x128xi32, #tpu.memory_space<hbm>> -> memref<200x128xi32, #tpu.memory_space<hbm>>
      %dma_wait3A_122 = arith.constant 0 : i32
      %dma_wait3A_123 = tpu.memref_slice %arg2[%mul3A_4, %dma_wait3A_122] : memref<6400x128xi32, #tpu.memory_space<hbm>> -> memref<200x128xi32, #tpu.memory_space<hbm>>
      tpu.wait_dma2 semaphore(%run_scoped3A : memref<!tpu.dma_semaphore, #tpu.memory_space<semaphore_mem>>) src(%dma_wait3A_123 : memref<200x128xi32, #tpu.memory_space<hbm>>) dst(%arg5 : memref<200x128xi32, #tpu.memory_space<vmem>>)
      tpu.yield
    }) : () -> ()
    %dma_start3A = arith.constant 0 : i32
    %dma_start3A_5 = arith.constant 0 : i32
    %dma_start3A_6 = arith.constant 0 : i32
    %dma_start3A_7 = arith.constant 0 : i32
    %dma_start3A_8 = tpu.memref_slice %arg6[%dma_start3A_5, %dma_start3A_6, %dma_start3A_7] : memref<10x128x64xf32, #tpu.memory_space<vmem>> -> memref<1x128x64xf32, #tpu.memory_space<vmem>>
    %dma_start3A_9 = tpu.memref_squeeze %dma_start3A_8 : memref<1x128x64xf32, #tpu.memory_space<vmem>> -> memref<128x64xf32, #tpu.memory_space<vmem>>
    %dma_start3A_10 = arith.constant 0 : i32
    %dma_start3A_11 = tpu.memref_slice %arg5[%dma_start3A, %dma_start3A_10] : memref<200x128xi32, #tpu.memory_space<vmem>> -> memref<1x128xi32, #tpu.memory_space<vmem>>
    %dma_start3A_12 = tpu.memref_squeeze %dma_start3A_11 : memref<1x128xi32, #tpu.memory_space<vmem>> -> memref<128xi32, #tpu.memory_space<vmem>>
    %dma_start3A_13 = arith.constant 0 : i32
    %dma_start3A_14 = arith.constant 0 : i32
    %dma_start3A_15 = tpu.memref_slice %arg3[%dma_start3A_13, %dma_start3A_14] : memref<1000000x64xf32, #tpu.memory_space<hbm>> -> memref<1000000x64xf32, #tpu.memory_space<hbm>>
    tpu.enqueue_indirect_dma source(%dma_start3A_15 : memref<1000000x64xf32, #tpu.memory_space<hbm>>) target(%dma_start3A_9 : memref<128x64xf32, #tpu.memory_space<vmem>>) offsets(%dma_start3A_12 : memref<128xi32, #tpu.memory_space<vmem>>) semaphore(%arg7 : memref<!tpu.dma_semaphore, #tpu.memory_space<semaphore_mem>>)
    %dma_start3A_16 = arith.constant 1 : i32
    %dma_start3A_17 = arith.constant 1 : i32
    %dma_start3A_18 = arith.constant 0 : i32
    %dma_start3A_19 = arith.constant 0 : i32
    %dma_start3A_20 = tpu.memref_slice %arg6[%dma_start3A_17, %dma_start3A_18, %dma_start3A_19] : memref<10x128x64xf32, #tpu.memory_space<vmem>> -> memref<1x128x64xf32, #tpu.memory_space<vmem>>
    %dma_start3A_21 = tpu.memref_squeeze %dma_start3A_20 : memref<1x128x64xf32, #tpu.memory_space<vmem>> -> memref<128x64xf32, #tpu.memory_space<vmem>>
    %dma_start3A_22 = arith.constant 0 : i32
    %dma_start3A_23 = tpu.memref_slice %arg5[%dma_start3A_16, %dma_start3A_22] : memref<200x128xi32, #tpu.memory_space<vmem>> -> memref<1x128xi32, #tpu.memory_space<vmem>>
    %dma_start3A_24 = tpu.memref_squeeze %dma_start3A_23 : memref<1x128xi32, #tpu.memory_space<vmem>> -> memref<128xi32, #tpu.memory_space<vmem>>
    %dma_start3A_25 = arith.constant 0 : i32
    %dma_start3A_26 = arith.constant 0 : i32
    %dma_start3A_27 = tpu.memref_slice %arg3[%dma_start3A_25, %dma_start3A_26] : memref<1000000x64xf32, #tpu.memory_space<hbm>> -> memref<1000000x64xf32, #tpu.memory_space<hbm>>
    tpu.enqueue_indirect_dma source(%dma_start3A_27 : memref<1000000x64xf32, #tpu.memory_space<hbm>>) target(%dma_start3A_21 : memref<128x64xf32, #tpu.memory_space<vmem>>) offsets(%dma_start3A_24 : memref<128xi32, #tpu.memory_space<vmem>>) semaphore(%arg8 : memref<!tpu.dma_semaphore, #tpu.memory_space<semaphore_mem>>)
    %dma_start3A_28 = arith.constant 2 : i32
    %dma_start3A_29 = arith.constant 2 : i32
    %dma_start3A_30 = arith.constant 0 : i32
    %dma_start3A_31 = arith.constant 0 : i32
    %dma_start3A_32 = tpu.memref_slice %arg6[%dma_start3A_29, %dma_start3A_30, %dma_start3A_31] : memref<10x128x64xf32, #tpu.memory_space<vmem>> -> memref<1x128x64xf32, #tpu.memory_space<vmem>>
    %dma_start3A_33 = tpu.memref_squeeze %dma_start3A_32 : memref<1x128x64xf32, #tpu.memory_space<vmem>> -> memref<128x64xf32, #tpu.memory_space<vmem>>
    %dma_start3A_34 = arith.constant 0 : i32
    %dma_start3A_35 = tpu.memref_slice %arg5[%dma_start3A_28, %dma_start3A_34] : memref<200x128xi32, #tpu.memory_space<vmem>> -> memref<1x128xi32, #tpu.memory_space<vmem>>
    %dma_start3A_36 = tpu.memref_squeeze %dma_start3A_35 : memref<1x128xi32, #tpu.memory_space<vmem>> -> memref<128xi32, #tpu.memory_space<vmem>>
    %dma_start3A_37 = arith.constant 0 : i32
    %dma_start3A_38 = arith.constant 0 : i32
    %dma_start3A_39 = tpu.memref_slice %arg3[%dma_start3A_37, %dma_start3A_38] : memref<1000000x64xf32, #tpu.memory_space<hbm>> -> memref<1000000x64xf32, #tpu.memory_space<hbm>>
    tpu.enqueue_indirect_dma source(%dma_start3A_39 : memref<1000000x64xf32, #tpu.memory_space<hbm>>) target(%dma_start3A_33 : memref<128x64xf32, #tpu.memory_space<vmem>>) offsets(%dma_start3A_36 : memref<128xi32, #tpu.memory_space<vmem>>) semaphore(%arg9 : memref<!tpu.dma_semaphore, #tpu.memory_space<semaphore_mem>>)
    %dma_start3A_40 = arith.constant 3 : i32
    %dma_start3A_41 = arith.constant 3 : i32
    %dma_start3A_42 = arith.constant 0 : i32
    %dma_start3A_43 = arith.constant 0 : i32
    %dma_start3A_44 = tpu.memref_slice %arg6[%dma_start3A_41, %dma_start3A_42, %dma_start3A_43] : memref<10x128x64xf32, #tpu.memory_space<vmem>> -> memref<1x128x64xf32, #tpu.memory_space<vmem>>
    %dma_start3A_45 = tpu.memref_squeeze %dma_start3A_44 : memref<1x128x64xf32, #tpu.memory_space<vmem>> -> memref<128x64xf32, #tpu.memory_space<vmem>>
    %dma_start3A_46 = arith.constant 0 : i32
    %dma_start3A_47 = tpu.memref_slice %arg5[%dma_start3A_40, %dma_start3A_46] : memref<200x128xi32, #tpu.memory_space<vmem>> -> memref<1x128xi32, #tpu.memory_space<vmem>>
    %dma_start3A_48 = tpu.memref_squeeze %dma_start3A_47 : memref<1x128xi32, #tpu.memory_space<vmem>> -> memref<128xi32, #tpu.memory_space<vmem>>
    %dma_start3A_49 = arith.constant 0 : i32
    %dma_start3A_50 = arith.constant 0 : i32
    %dma_start3A_51 = tpu.memref_slice %arg3[%dma_start3A_49, %dma_start3A_50] : memref<1000000x64xf32, #tpu.memory_space<hbm>> -> memref<1000000x64xf32, #tpu.memory_space<hbm>>
    tpu.enqueue_indirect_dma source(%dma_start3A_51 : memref<1000000x64xf32, #tpu.memory_space<hbm>>) target(%dma_start3A_45 : memref<128x64xf32, #tpu.memory_space<vmem>>) offsets(%dma_start3A_48 : memref<128xi32, #tpu.memory_space<vmem>>) semaphore(%arg10 : memref<!tpu.dma_semaphore, #tpu.memory_space<semaphore_mem>>)
    %dma_start3A_52 = arith.constant 4 : i32
    %dma_start3A_53 = arith.constant 4 : i32
    %dma_start3A_54 = arith.constant 0 : i32
    %dma_start3A_55 = arith.constant 0 : i32
    %dma_start3A_56 = tpu.memref_slice %arg6[%dma_start3A_53, %dma_start3A_54, %dma_start3A_55] : memref<10x128x64xf32, #tpu.memory_space<vmem>> -> memref<1x128x64xf32, #tpu.memory_space<vmem>>
    %dma_start3A_57 = tpu.memref_squeeze %dma_start3A_56 : memref<1x128x64xf32, #tpu.memory_space<vmem>> -> memref<128x64xf32, #tpu.memory_space<vmem>>
    %dma_start3A_58 = arith.constant 0 : i32
    %dma_start3A_59 = tpu.memref_slice %arg5[%dma_start3A_52, %dma_start3A_58] : memref<200x128xi32, #tpu.memory_space<vmem>> -> memref<1x128xi32, #tpu.memory_space<vmem>>
    %dma_start3A_60 = tpu.memref_squeeze %dma_start3A_59 : memref<1x128xi32, #tpu.memory_space<vmem>> -> memref<128xi32, #tpu.memory_space<vmem>>
    %dma_start3A_61 = arith.constant 0 : i32
    %dma_start3A_62 = arith.constant 0 : i32
    %dma_start3A_63 = tpu.memref_slice %arg3[%dma_start3A_61, %dma_start3A_62] : memref<1000000x64xf32, #tpu.memory_space<hbm>> -> memref<1000000x64xf32, #tpu.memory_space<hbm>>
    tpu.enqueue_indirect_dma source(%dma_start3A_63 : memref<1000000x64xf32, #tpu.memory_space<hbm>>) target(%dma_start3A_57 : memref<128x64xf32, #tpu.memory_space<vmem>>) offsets(%dma_start3A_60 : memref<128xi32, #tpu.memory_space<vmem>>) semaphore(%arg11 : memref<!tpu.dma_semaphore, #tpu.memory_space<semaphore_mem>>)
    %dma_start3A_64 = arith.constant 5 : i32
    %dma_start3A_65 = arith.constant 5 : i32
    %dma_start3A_66 = arith.constant 0 : i32
    %dma_start3A_67 = arith.constant 0 : i32
    %dma_start3A_68 = tpu.memref_slice %arg6[%dma_start3A_65, %dma_start3A_66, %dma_start3A_67] : memref<10x128x64xf32, #tpu.memory_space<vmem>> -> memref<1x128x64xf32, #tpu.memory_space<vmem>>
    %dma_start3A_69 = tpu.memref_squeeze %dma_start3A_68 : memref<1x128x64xf32, #tpu.memory_space<vmem>> -> memref<128x64xf32, #tpu.memory_space<vmem>>
    %dma_start3A_70 = arith.constant 0 : i32
    %dma_start3A_71 = tpu.memref_slice %arg5[%dma_start3A_64, %dma_start3A_70] : memref<200x128xi32, #tpu.memory_space<vmem>> -> memref<1x128xi32, #tpu.memory_space<vmem>>
    %dma_start3A_72 = tpu.memref_squeeze %dma_start3A_71 : memref<1x128xi32, #tpu.memory_space<vmem>> -> memref<128xi32, #tpu.memory_space<vmem>>
    %dma_start3A_73 = arith.constant 0 : i32
    %dma_start3A_74 = arith.constant 0 : i32
    %dma_start3A_75 = tpu.memref_slice %arg3[%dma_start3A_73, %dma_start3A_74] : memref<1000000x64xf32, #tpu.memory_space<hbm>> -> memref<1000000x64xf32, #tpu.memory_space<hbm>>
    tpu.enqueue_indirect_dma source(%dma_start3A_75 : memref<1000000x64xf32, #tpu.memory_space<hbm>>) target(%dma_start3A_69 : memref<128x64xf32, #tpu.memory_space<vmem>>) offsets(%dma_start3A_72 : memref<128xi32, #tpu.memory_space<vmem>>) semaphore(%arg12 : memref<!tpu.dma_semaphore, #tpu.memory_space<semaphore_mem>>)
    %dma_start3A_76 = arith.constant 6 : i32
    %dma_start3A_77 = arith.constant 6 : i32
    %dma_start3A_78 = arith.constant 0 : i32
    %dma_start3A_79 = arith.constant 0 : i32
    %dma_start3A_80 = tpu.memref_slice %arg6[%dma_start3A_77, %dma_start3A_78, %dma_start3A_79] : memref<10x128x64xf32, #tpu.memory_space<vmem>> -> memref<1x128x64xf32, #tpu.memory_space<vmem>>
    %dma_start3A_81 = tpu.memref_squeeze %dma_start3A_80 : memref<1x128x64xf32, #tpu.memory_space<vmem>> -> memref<128x64xf32, #tpu.memory_space<vmem>>
    %dma_start3A_82 = arith.constant 0 : i32
    %dma_start3A_83 = tpu.memref_slice %arg5[%dma_start3A_76, %dma_start3A_82] : memref<200x128xi32, #tpu.memory_space<vmem>> -> memref<1x128xi32, #tpu.memory_space<vmem>>
    %dma_start3A_84 = tpu.memref_squeeze %dma_start3A_83 : memref<1x128xi32, #tpu.memory_space<vmem>> -> memref<128xi32, #tpu.memory_space<vmem>>
    %dma_start3A_85 = arith.constant 0 : i32
    %dma_start3A_86 = arith.constant 0 : i32
    %dma_start3A_87 = tpu.memref_slice %arg3[%dma_start3A_85, %dma_start3A_86] : memref<1000000x64xf32, #tpu.memory_space<hbm>> -> memref<1000000x64xf32, #tpu.memory_space<hbm>>
    tpu.enqueue_indirect_dma source(%dma_start3A_87 : memref<1000000x64xf32, #tpu.memory_space<hbm>>) target(%dma_start3A_81 : memref<128x64xf32, #tpu.memory_space<vmem>>) offsets(%dma_start3A_84 : memref<128xi32, #tpu.memory_space<vmem>>) semaphore(%arg13 : memref<!tpu.dma_semaphore, #tpu.memory_space<semaphore_mem>>)
    %dma_start3A_88 = arith.constant 7 : i32
    %dma_start3A_89 = arith.constant 7 : i32
    %dma_start3A_90 = arith.constant 0 : i32
    %dma_start3A_91 = arith.constant 0 : i32
    %dma_start3A_92 = tpu.memref_slice %arg6[%dma_start3A_89, %dma_start3A_90, %dma_start3A_91] : memref<10x128x64xf32, #tpu.memory_space<vmem>> -> memref<1x128x64xf32, #tpu.memory_space<vmem>>
    %dma_start3A_93 = tpu.memref_squeeze %dma_start3A_92 : memref<1x128x64xf32, #tpu.memory_space<vmem>> -> memref<128x64xf32, #tpu.memory_space<vmem>>
    %dma_start3A_94 = arith.constant 0 : i32
    %dma_start3A_95 = tpu.memref_slice %arg5[%dma_start3A_88, %dma_start3A_94] : memref<200x128xi32, #tpu.memory_space<vmem>> -> memref<1x128xi32, #tpu.memory_space<vmem>>
    %dma_start3A_96 = tpu.memref_squeeze %dma_start3A_95 : memref<1x128xi32, #tpu.memory_space<vmem>> -> memref<128xi32, #tpu.memory_space<vmem>>
    %dma_start3A_97 = arith.constant 0 : i32
    %dma_start3A_98 = arith.constant 0 : i32
    %dma_start3A_99 = tpu.memref_slice %arg3[%dma_start3A_97, %dma_start3A_98] : memref<1000000x64xf32, #tpu.memory_space<hbm>> -> memref<1000000x64xf32, #tpu.memory_space<hbm>>
    tpu.enqueue_indirect_dma source(%dma_start3A_99 : memref<1000000x64xf32, #tpu.memory_space<hbm>>) target(%dma_start3A_93 : memref<128x64xf32, #tpu.memory_space<vmem>>) offsets(%dma_start3A_96 : memref<128xi32, #tpu.memory_space<vmem>>) semaphore(%arg14 : memref<!tpu.dma_semaphore, #tpu.memory_space<semaphore_mem>>)
    %dma_start3A_100 = arith.constant 8 : i32
    %dma_start3A_101 = arith.constant 8 : i32
    %dma_start3A_102 = arith.constant 0 : i32
    %dma_start3A_103 = arith.constant 0 : i32
    %dma_start3A_104 = tpu.memref_slice %arg6[%dma_start3A_101, %dma_start3A_102, %dma_start3A_103] : memref<10x128x64xf32, #tpu.memory_space<vmem>> -> memref<1x128x64xf32, #tpu.memory_space<vmem>>
    %dma_start3A_105 = tpu.memref_squeeze %dma_start3A_104 : memref<1x128x64xf32, #tpu.memory_space<vmem>> -> memref<128x64xf32, #tpu.memory_space<vmem>>
    %dma_start3A_106 = arith.constant 0 : i32
    %dma_start3A_107 = tpu.memref_slice %arg5[%dma_start3A_100, %dma_start3A_106] : memref<200x128xi32, #tpu.memory_space<vmem>> -> memref<1x128xi32, #tpu.memory_space<vmem>>
    %dma_start3A_108 = tpu.memref_squeeze %dma_start3A_107 : memref<1x128xi32, #tpu.memory_space<vmem>> -> memref<128xi32, #tpu.memory_space<vmem>>
    %dma_start3A_109 = arith.constant 0 : i32
    %dma_start3A_110 = arith.constant 0 : i32
    %dma_start3A_111 = tpu.memref_slice %arg3[%dma_start3A_109, %dma_start3A_110] : memref<1000000x64xf32, #tpu.memory_space<hbm>> -> memref<1000000x64xf32, #tpu.memory_space<hbm>>
    tpu.enqueue_indirect_dma source(%dma_start3A_111 : memref<1000000x64xf32, #tpu.memory_space<hbm>>) target(%dma_start3A_105 : memref<128x64xf32, #tpu.memory_space<vmem>>) offsets(%dma_start3A_108 : memref<128xi32, #tpu.memory_space<vmem>>) semaphore(%arg15 : memref<!tpu.dma_semaphore, #tpu.memory_space<semaphore_mem>>)
    %scan3A = arith.constant 0 : i32
    %scan3A_112 = arith.constant 0 : i32
    %scan3A_113 = arith.constant 20 : i32
    %scan3A_114 = arith.addi %scan3A_112, %scan3A_113 : i32
    %scan3A_115 = arith.constant 1 : i32
    scf.for %scan3A_117 = %scan3A_112 to %scan3A_114 step %scan3A_115  : i32 {
      %mul3A_118 = arith.constant 10 : i32
      %mul3A_119 = arith.muli %scan3A_117, %mul3A_118 : i32
      %add3A_120 = arith.constant 0 : i32
      %add3A_121 = arith.addi %mul3A_119, %add3A_120 : i32
      %add3A_122 = arith.constant 10 : i32
      %add3A_123 = arith.addi %add3A_121, %add3A_122 : i32
      %sub3A = arith.constant 1 : i32
      %sub3A_124 = arith.subi %add3A_123, %sub3A : i32
      %lt3A = arith.constant 200 : i32
      %lt3A_125 = arith.cmpi slt, %sub3A_124, %lt3A : i32
      %convert_element_type3A = arith.extui %lt3A_125 : i1 to i32
      %cond3A = arith.constant 0 : i32
      %cond3A_126 = arith.cmpi ne, %convert_element_type3A, %cond3A : i32
      scf.if %cond3A_126 {
        %dma_start3A_392 = arith.constant 9 : i32
        %dma_start3A_393 = arith.constant 0 : i32
        %dma_start3A_394 = arith.constant 0 : i32
        %dma_start3A_395 = tpu.memref_slice %arg6[%dma_start3A_392, %dma_start3A_393, %dma_start3A_394] : memref<10x128x64xf32, #tpu.memory_space<vmem>> -> memref<1x128x64xf32, #tpu.memory_space<vmem>>
        %dma_start3A_396 = tpu.memref_squeeze %dma_start3A_395 : memref<1x128x64xf32, #tpu.memory_space<vmem>> -> memref<128x64xf32, #tpu.memory_space<vmem>>
        %dma_start3A_397 = arith.constant 0 : i32
        %dma_start3A_398 = tpu.memref_slice %arg5[%sub3A_124, %dma_start3A_397] : memref<200x128xi32, #tpu.memory_space<vmem>> -> memref<1x128xi32, #tpu.memory_space<vmem>>
        %dma_start3A_399 = tpu.memref_squeeze %dma_start3A_398 : memref<1x128xi32, #tpu.memory_space<vmem>> -> memref<128xi32, #tpu.memory_space<vmem>>
        %dma_start3A_400 = arith.constant 0 : i32
        %dma_start3A_401 = arith.constant 0 : i32
        %dma_start3A_402 = tpu.memref_slice %arg3[%dma_start3A_400, %dma_start3A_401] : memref<1000000x64xf32, #tpu.memory_space<hbm>> -> memref<1000000x64xf32, #tpu.memory_space<hbm>>
        tpu.enqueue_indirect_dma source(%dma_start3A_402 : memref<1000000x64xf32, #tpu.memory_space<hbm>>) target(%dma_start3A_396 : memref<128x64xf32, #tpu.memory_space<vmem>>) offsets(%dma_start3A_399 : memref<128xi32, #tpu.memory_space<vmem>>) semaphore(%arg16 : memref<!tpu.dma_semaphore, #tpu.memory_space<semaphore_mem>>)
      } else {
      }
      %dma_wait3A = arith.constant 0 : i32
      %dma_wait3A_127 = arith.constant 0 : i32
      %dma_wait3A_128 = arith.constant 0 : i32
      %dma_wait3A_129 = tpu.memref_slice %arg6[%dma_wait3A, %dma_wait3A_127, %dma_wait3A_128] : memref<10x128x64xf32, #tpu.memory_space<vmem>> -> memref<1x128x64xf32, #tpu.memory_space<vmem>>
      %dma_wait3A_130 = tpu.memref_squeeze %dma_wait3A_129 : memref<1x128x64xf32, #tpu.memory_space<vmem>> -> memref<128x64xf32, #tpu.memory_space<vmem>>
      %dma_wait3A_131 = arith.constant 0 : i32
      %dma_wait3A_132 = tpu.memref_slice %arg5[%add3A_121, %dma_wait3A_131] : memref<200x128xi32, #tpu.memory_space<vmem>> -> memref<1x128xi32, #tpu.memory_space<vmem>>
      %dma_wait3A_133 = tpu.memref_squeeze %dma_wait3A_132 : memref<1x128xi32, #tpu.memory_space<vmem>> -> memref<128xi32, #tpu.memory_space<vmem>>
      %dma_wait3A_134 = arith.constant 0 : i32
      %dma_wait3A_135 = arith.constant 0 : i32
      %dma_wait3A_136 = tpu.memref_slice %arg3[%dma_wait3A_134, %dma_wait3A_135] : memref<1000000x64xf32, #tpu.memory_space<hbm>> -> memref<1000000x64xf32, #tpu.memory_space<hbm>>
      tpu.wait_indirect_dma semaphore(%arg7 : memref<!tpu.dma_semaphore, #tpu.memory_space<semaphore_mem>>) src(%dma_wait3A_136 : memref<1000000x64xf32, #tpu.memory_space<hbm>>) dst(%dma_wait3A_130 : memref<128x64xf32, #tpu.memory_space<vmem>>)
      %mul3A_137 = arith.constant 128 : i32
      %mul3A_138 = arith.muli %add3A_121, %mul3A_137 : i32
      %add3A_139 = arith.addi %mul3A_2, %mul3A_138 : i32
      %run_scoped3A = arith.constant 0 : i32
      "tpu.region"() ({
        %run_scoped3A_392 = tpu.sem_alloc : memref<!tpu.dma_semaphore, #tpu.memory_space<semaphore_mem>>
        %dma_start3A_393 = arith.constant 0 : i32
        %dma_start3A_394 = arith.constant 0 : i32
        %dma_start3A_395 = tpu.memref_slice %arg6[%run_scoped3A, %dma_start3A_393, %dma_start3A_394] : memref<10x128x64xf32, #tpu.memory_space<vmem>> -> memref<1x128x64xf32, #tpu.memory_space<vmem>>
        %dma_start3A_396 = tpu.memref_squeeze %dma_start3A_395 : memref<1x128x64xf32, #tpu.memory_space<vmem>> -> memref<128x64xf32, #tpu.memory_space<vmem>>
        %dma_start3A_397 = arith.constant 0 : i32
        %dma_start3A_398 = tpu.memref_slice %arg4[%add3A_139, %dma_start3A_397] : memref<819200x128xf32, #tpu.memory_space<hbm>> -> memref<128x64xf32, #tpu.memory_space<hbm>>
        %dma_start3A_399 = arith.constant 0 : i32
        %dma_start3A_400 = tpu.memref_slice %arg4[%add3A_139, %dma_start3A_399] : memref<819200x128xf32, #tpu.memory_space<hbm>> -> memref<128x64xf32, #tpu.memory_space<hbm>>
        %dma_start3A_401 = arith.constant 0 : i32
        %dma_start3A_402 = arith.constant 0 : i32
        %dma_start3A_403 = tpu.memref_slice %arg6[%run_scoped3A, %dma_start3A_401, %dma_start3A_402] : memref<10x128x64xf32, #tpu.memory_space<vmem>> -> memref<1x128x64xf32, #tpu.memory_space<vmem>>
        %dma_start3A_404 = tpu.memref_squeeze %dma_start3A_403 : memref<1x128x64xf32, #tpu.memory_space<vmem>> -> memref<128x64xf32, #tpu.memory_space<vmem>>
        tpu.enqueue_dma source(%dma_start3A_404 : memref<128x64xf32, #tpu.memory_space<vmem>>) target(%dma_start3A_400 : memref<128x64xf32, #tpu.memory_space<hbm>>) target_semaphore(%run_scoped3A_392 : memref<!tpu.dma_semaphore, #tpu.memory_space<semaphore_mem>>)
        %dma_wait3A_405 = arith.constant 0 : i32
        %dma_wait3A_406 = arith.constant 0 : i32
        %dma_wait3A_407 = tpu.memref_slice %arg6[%run_scoped3A, %dma_wait3A_405, %dma_wait3A_406] : memref<10x128x64xf32, #tpu.memory_space<vmem>> -> memref<1x128x64xf32, #tpu.memory_space<vmem>>
        %dma_wait3A_408 = tpu.memref_squeeze %dma_wait3A_407 : memref<1x128x64xf32, #tpu.memory_space<vmem>> -> memref<128x64xf32, #tpu.memory_space<vmem>>
        %dma_wait3A_409 = arith.constant 0 : i32
        %dma_wait3A_410 = tpu.memref_slice %arg4[%add3A_139, %dma_wait3A_409] : memref<819200x128xf32, #tpu.memory_space<hbm>> -> memref<128x64xf32, #tpu.memory_space<hbm>>
        %dma_wait3A_411 = arith.constant 0 : i32
        %dma_wait3A_412 = tpu.memref_slice %arg4[%add3A_139, %dma_wait3A_411] : memref<819200x128xf32, #tpu.memory_space<hbm>> -> memref<128x64xf32, #tpu.memory_space<hbm>>
        %dma_wait3A_413 = arith.constant 0 : i32
        %dma_wait3A_414 = arith.constant 0 : i32
        %dma_wait3A_415 = tpu.memref_slice %arg6[%run_scoped3A, %dma_wait3A_413, %dma_wait3A_414] : memref<10x128x64xf32, #tpu.memory_space<vmem>> -> memref<1x128x64xf32, #tpu.memory_space<vmem>>
        %dma_wait3A_416 = tpu.memref_squeeze %dma_wait3A_415 : memref<1x128x64xf32, #tpu.memory_space<vmem>> -> memref<128x64xf32, #tpu.memory_space<vmem>>
        tpu.wait_dma2 semaphore(%run_scoped3A_392 : memref<!tpu.dma_semaphore, #tpu.memory_space<semaphore_mem>>) src(%dma_wait3A_416 : memref<128x64xf32, #tpu.memory_space<vmem>>) dst(%dma_wait3A_412 : memref<128x64xf32, #tpu.memory_space<hbm>>)
        tpu.yield
      }) : () -> ()
      %mul3A_140 = arith.constant 10 : i32
      %mul3A_141 = arith.muli %scan3A_117, %mul3A_140 : i32
      %add3A_142 = arith.constant 1 : i32
      %add3A_143 = arith.addi %mul3A_141, %add3A_142 : i32
      %add3A_144 = arith.constant 10 : i32
      %add3A_145 = arith.addi %add3A_143, %add3A_144 : i32
      %sub3A_146 = arith.constant 1 : i32
      %sub3A_147 = arith.subi %add3A_145, %sub3A_146 : i32
      %lt3A_148 = arith.constant 200 : i32
      %lt3A_149 = arith.cmpi slt, %sub3A_147, %lt3A_148 : i32
      %convert_element_type3A_150 = arith.extui %lt3A_149 : i1 to i32
      %cond3A_151 = arith.constant 0 : i32
      %cond3A_152 = arith.cmpi ne, %convert_element_type3A_150, %cond3A_151 : i32
      scf.if %cond3A_152 {
        %dma_start3A_392 = arith.constant 0 : i32
        %dma_start3A_393 = arith.constant 0 : i32
        %dma_start3A_394 = arith.constant 0 : i32
        %dma_start3A_395 = tpu.memref_slice %arg6[%dma_start3A_392, %dma_start3A_393, %dma_start3A_394] : memref<10x128x64xf32, #tpu.memory_space<vmem>> -> memref<1x128x64xf32, #tpu.memory_space<vmem>>
        %dma_start3A_396 = tpu.memref_squeeze %dma_start3A_395 : memref<1x128x64xf32, #tpu.memory_space<vmem>> -> memref<128x64xf32, #tpu.memory_space<vmem>>
        %dma_start3A_397 = arith.constant 0 : i32
        %dma_start3A_398 = tpu.memref_slice %arg5[%sub3A_147, %dma_start3A_397] : memref<200x128xi32, #tpu.memory_space<vmem>> -> memref<1x128xi32, #tpu.memory_space<vmem>>
        %dma_start3A_399 = tpu.memref_squeeze %dma_start3A_398 : memref<1x128xi32, #tpu.memory_space<vmem>> -> memref<128xi32, #tpu.memory_space<vmem>>
        %dma_start3A_400 = arith.constant 0 : i32
        %dma_start3A_401 = arith.constant 0 : i32
        %dma_start3A_402 = tpu.memref_slice %arg3[%dma_start3A_400, %dma_start3A_401] : memref<1000000x64xf32, #tpu.memory_space<hbm>> -> memref<1000000x64xf32, #tpu.memory_space<hbm>>
        tpu.enqueue_indirect_dma source(%dma_start3A_402 : memref<1000000x64xf32, #tpu.memory_space<hbm>>) target(%dma_start3A_396 : memref<128x64xf32, #tpu.memory_space<vmem>>) offsets(%dma_start3A_399 : memref<128xi32, #tpu.memory_space<vmem>>) semaphore(%arg7 : memref<!tpu.dma_semaphore, #tpu.memory_space<semaphore_mem>>)
      } else {
      }
      %dma_wait3A_153 = arith.constant 1 : i32
      %dma_wait3A_154 = arith.constant 0 : i32
      %dma_wait3A_155 = arith.constant 0 : i32
      %dma_wait3A_156 = tpu.memref_slice %arg6[%dma_wait3A_153, %dma_wait3A_154, %dma_wait3A_155] : memref<10x128x64xf32, #tpu.memory_space<vmem>> -> memref<1x128x64xf32, #tpu.memory_space<vmem>>
      %dma_wait3A_157 = tpu.memref_squeeze %dma_wait3A_156 : memref<1x128x64xf32, #tpu.memory_space<vmem>> -> memref<128x64xf32, #tpu.memory_space<vmem>>
      %dma_wait3A_158 = arith.constant 0 : i32
      %dma_wait3A_159 = tpu.memref_slice %arg5[%add3A_143, %dma_wait3A_158] : memref<200x128xi32, #tpu.memory_space<vmem>> -> memref<1x128xi32, #tpu.memory_space<vmem>>
      %dma_wait3A_160 = tpu.memref_squeeze %dma_wait3A_159 : memref<1x128xi32, #tpu.memory_space<vmem>> -> memref<128xi32, #tpu.memory_space<vmem>>
      %dma_wait3A_161 = arith.constant 0 : i32
      %dma_wait3A_162 = arith.constant 0 : i32
      %dma_wait3A_163 = tpu.memref_slice %arg3[%dma_wait3A_161, %dma_wait3A_162] : memref<1000000x64xf32, #tpu.memory_space<hbm>> -> memref<1000000x64xf32, #tpu.memory_space<hbm>>
      tpu.wait_indirect_dma semaphore(%arg8 : memref<!tpu.dma_semaphore, #tpu.memory_space<semaphore_mem>>) src(%dma_wait3A_163 : memref<1000000x64xf32, #tpu.memory_space<hbm>>) dst(%dma_wait3A_157 : memref<128x64xf32, #tpu.memory_space<vmem>>)
      %mul3A_164 = arith.constant 128 : i32
      %mul3A_165 = arith.muli %add3A_143, %mul3A_164 : i32
      %add3A_166 = arith.addi %mul3A_2, %mul3A_165 : i32
      %run_scoped3A_167 = arith.constant 1 : i32
      "tpu.region"() ({
        %run_scoped3A_392 = tpu.sem_alloc : memref<!tpu.dma_semaphore, #tpu.memory_space<semaphore_mem>>
        %dma_start3A_393 = arith.constant 0 : i32
        %dma_start3A_394 = arith.constant 0 : i32
        %dma_start3A_395 = tpu.memref_slice %arg6[%run_scoped3A_167, %dma_start3A_393, %dma_start3A_394] : memref<10x128x64xf32, #tpu.memory_space<vmem>> -> memref<1x128x64xf32, #tpu.memory_space<vmem>>
        %dma_start3A_396 = tpu.memref_squeeze %dma_start3A_395 : memref<1x128x64xf32, #tpu.memory_space<vmem>> -> memref<128x64xf32, #tpu.memory_space<vmem>>
        %dma_start3A_397 = arith.constant 0 : i32
        %dma_start3A_398 = tpu.memref_slice %arg4[%add3A_166, %dma_start3A_397] : memref<819200x128xf32, #tpu.memory_space<hbm>> -> memref<128x64xf32, #tpu.memory_space<hbm>>
        %dma_start3A_399 = arith.constant 0 : i32
        %dma_start3A_400 = tpu.memref_slice %arg4[%add3A_166, %dma_start3A_399] : memref<819200x128xf32, #tpu.memory_space<hbm>> -> memref<128x64xf32, #tpu.memory_space<hbm>>
        %dma_start3A_401 = arith.constant 0 : i32
        %dma_start3A_402 = arith.constant 0 : i32
        %dma_start3A_403 = tpu.memref_slice %arg6[%run_scoped3A_167, %dma_start3A_401, %dma_start3A_402] : memref<10x128x64xf32, #tpu.memory_space<vmem>> -> memref<1x128x64xf32, #tpu.memory_space<vmem>>
        %dma_start3A_404 = tpu.memref_squeeze %dma_start3A_403 : memref<1x128x64xf32, #tpu.memory_space<vmem>> -> memref<128x64xf32, #tpu.memory_space<vmem>>
        tpu.enqueue_dma source(%dma_start3A_404 : memref<128x64xf32, #tpu.memory_space<vmem>>) target(%dma_start3A_400 : memref<128x64xf32, #tpu.memory_space<hbm>>) target_semaphore(%run_scoped3A_392 : memref<!tpu.dma_semaphore, #tpu.memory_space<semaphore_mem>>)
        %dma_wait3A_405 = arith.constant 0 : i32
        %dma_wait3A_406 = arith.constant 0 : i32
        %dma_wait3A_407 = tpu.memref_slice %arg6[%run_scoped3A_167, %dma_wait3A_405, %dma_wait3A_406] : memref<10x128x64xf32, #tpu.memory_space<vmem>> -> memref<1x128x64xf32, #tpu.memory_space<vmem>>
        %dma_wait3A_408 = tpu.memref_squeeze %dma_wait3A_407 : memref<1x128x64xf32, #tpu.memory_space<vmem>> -> memref<128x64xf32, #tpu.memory_space<vmem>>
        %dma_wait3A_409 = arith.constant 0 : i32
        %dma_wait3A_410 = tpu.memref_slice %arg4[%add3A_166, %dma_wait3A_409] : memref<819200x128xf32, #tpu.memory_space<hbm>> -> memref<128x64xf32, #tpu.memory_space<hbm>>
        %dma_wait3A_411 = arith.constant 0 : i32
        %dma_wait3A_412 = tpu.memref_slice %arg4[%add3A_166, %dma_wait3A_411] : memref<819200x128xf32, #tpu.memory_space<hbm>> -> memref<128x64xf32, #tpu.memory_space<hbm>>
        %dma_wait3A_413 = arith.constant 0 : i32
        %dma_wait3A_414 = arith.constant 0 : i32
        %dma_wait3A_415 = tpu.memref_slice %arg6[%run_scoped3A_167, %dma_wait3A_413, %dma_wait3A_414] : memref<10x128x64xf32, #tpu.memory_space<vmem>> -> memref<1x128x64xf32, #tpu.memory_space<vmem>>
        %dma_wait3A_416 = tpu.memref_squeeze %dma_wait3A_415 : memref<1x128x64xf32, #tpu.memory_space<vmem>> -> memref<128x64xf32, #tpu.memory_space<vmem>>
        tpu.wait_dma2 semaphore(%run_scoped3A_392 : memref<!tpu.dma_semaphore, #tpu.memory_space<semaphore_mem>>) src(%dma_wait3A_416 : memref<128x64xf32, #tpu.memory_space<vmem>>) dst(%dma_wait3A_412 : memref<128x64xf32, #tpu.memory_space<hbm>>)
        tpu.yield
      }) : () -> ()
      %mul3A_168 = arith.constant 10 : i32
      %mul3A_169 = arith.muli %scan3A_117, %mul3A_168 : i32
      %add3A_170 = arith.constant 2 : i32
      %add3A_171 = arith.addi %mul3A_169, %add3A_170 : i32
      %add3A_172 = arith.constant 10 : i32
      %add3A_173 = arith.addi %add3A_171, %add3A_172 : i32
      %sub3A_174 = arith.constant 1 : i32
      %sub3A_175 = arith.subi %add3A_173, %sub3A_174 : i32
      %lt3A_176 = arith.constant 200 : i32
      %lt3A_177 = arith.cmpi slt, %sub3A_175, %lt3A_176 : i32
      %convert_element_type3A_178 = arith.extui %lt3A_177 : i1 to i32
      %cond3A_179 = arith.constant 0 : i32
      %cond3A_180 = arith.cmpi ne, %convert_element_type3A_178, %cond3A_179 : i32
      scf.if %cond3A_180 {
        %dma_start3A_392 = arith.constant 1 : i32
        %dma_start3A_393 = arith.constant 0 : i32
        %dma_start3A_394 = arith.constant 0 : i32
        %dma_start3A_395 = tpu.memref_slice %arg6[%dma_start3A_392, %dma_start3A_393, %dma_start3A_394] : memref<10x128x64xf32, #tpu.memory_space<vmem>> -> memref<1x128x64xf32, #tpu.memory_space<vmem>>
        %dma_start3A_396 = tpu.memref_squeeze %dma_start3A_395 : memref<1x128x64xf32, #tpu.memory_space<vmem>> -> memref<128x64xf32, #tpu.memory_space<vmem>>
        %dma_start3A_397 = arith.constant 0 : i32
        %dma_start3A_398 = tpu.memref_slice %arg5[%sub3A_175, %dma_start3A_397] : memref<200x128xi32, #tpu.memory_space<vmem>> -> memref<1x128xi32, #tpu.memory_space<vmem>>
        %dma_start3A_399 = tpu.memref_squeeze %dma_start3A_398 : memref<1x128xi32, #tpu.memory_space<vmem>> -> memref<128xi32, #tpu.memory_space<vmem>>
        %dma_start3A_400 = arith.constant 0 : i32
        %dma_start3A_401 = arith.constant 0 : i32
        %dma_start3A_402 = tpu.memref_slice %arg3[%dma_start3A_400, %dma_start3A_401] : memref<1000000x64xf32, #tpu.memory_space<hbm>> -> memref<1000000x64xf32, #tpu.memory_space<hbm>>
        tpu.enqueue_indirect_dma source(%dma_start3A_402 : memref<1000000x64xf32, #tpu.memory_space<hbm>>) target(%dma_start3A_396 : memref<128x64xf32, #tpu.memory_space<vmem>>) offsets(%dma_start3A_399 : memref<128xi32, #tpu.memory_space<vmem>>) semaphore(%arg8 : memref<!tpu.dma_semaphore, #tpu.memory_space<semaphore_mem>>)
      } else {
      }
      %dma_wait3A_181 = arith.constant 2 : i32
      %dma_wait3A_182 = arith.constant 0 : i32
      %dma_wait3A_183 = arith.constant 0 : i32
      %dma_wait3A_184 = tpu.memref_slice %arg6[%dma_wait3A_181, %dma_wait3A_182, %dma_wait3A_183] : memref<10x128x64xf32, #tpu.memory_space<vmem>> -> memref<1x128x64xf32, #tpu.memory_space<vmem>>
      %dma_wait3A_185 = tpu.memref_squeeze %dma_wait3A_184 : memref<1x128x64xf32, #tpu.memory_space<vmem>> -> memref<128x64xf32, #tpu.memory_space<vmem>>
      %dma_wait3A_186 = arith.constant 0 : i32
      %dma_wait3A_187 = tpu.memref_slice %arg5[%add3A_171, %dma_wait3A_186] : memref<200x128xi32, #tpu.memory_space<vmem>> -> memref<1x128xi32, #tpu.memory_space<vmem>>
      %dma_wait3A_188 = tpu.memref_squeeze %dma_wait3A_187 : memref<1x128xi32, #tpu.memory_space<vmem>> -> memref<128xi32, #tpu.memory_space<vmem>>
      %dma_wait3A_189 = arith.constant 0 : i32
      %dma_wait3A_190 = arith.constant 0 : i32
      %dma_wait3A_191 = tpu.memref_slice %arg3[%dma_wait3A_189, %dma_wait3A_190] : memref<1000000x64xf32, #tpu.memory_space<hbm>> -> memref<1000000x64xf32, #tpu.memory_space<hbm>>
      tpu.wait_indirect_dma semaphore(%arg9 : memref<!tpu.dma_semaphore, #tpu.memory_space<semaphore_mem>>) src(%dma_wait3A_191 : memref<1000000x64xf32, #tpu.memory_space<hbm>>) dst(%dma_wait3A_185 : memref<128x64xf32, #tpu.memory_space<vmem>>)
      %mul3A_192 = arith.constant 128 : i32
      %mul3A_193 = arith.muli %add3A_171, %mul3A_192 : i32
      %add3A_194 = arith.addi %mul3A_2, %mul3A_193 : i32
      %run_scoped3A_195 = arith.constant 2 : i32
      "tpu.region"() ({
        %run_scoped3A_392 = tpu.sem_alloc : memref<!tpu.dma_semaphore, #tpu.memory_space<semaphore_mem>>
        %dma_start3A_393 = arith.constant 0 : i32
        %dma_start3A_394 = arith.constant 0 : i32
        %dma_start3A_395 = tpu.memref_slice %arg6[%run_scoped3A_195, %dma_start3A_393, %dma_start3A_394] : memref<10x128x64xf32, #tpu.memory_space<vmem>> -> memref<1x128x64xf32, #tpu.memory_space<vmem>>
        %dma_start3A_396 = tpu.memref_squeeze %dma_start3A_395 : memref<1x128x64xf32, #tpu.memory_space<vmem>> -> memref<128x64xf32, #tpu.memory_space<vmem>>
        %dma_start3A_397 = arith.constant 0 : i32
        %dma_start3A_398 = tpu.memref_slice %arg4[%add3A_194, %dma_start3A_397] : memref<819200x128xf32, #tpu.memory_space<hbm>> -> memref<128x64xf32, #tpu.memory_space<hbm>>
        %dma_start3A_399 = arith.constant 0 : i32
        %dma_start3A_400 = tpu.memref_slice %arg4[%add3A_194, %dma_start3A_399] : memref<819200x128xf32, #tpu.memory_space<hbm>> -> memref<128x64xf32, #tpu.memory_space<hbm>>
        %dma_start3A_401 = arith.constant 0 : i32
        %dma_start3A_402 = arith.constant 0 : i32
        %dma_start3A_403 = tpu.memref_slice %arg6[%run_scoped3A_195, %dma_start3A_401, %dma_start3A_402] : memref<10x128x64xf32, #tpu.memory_space<vmem>> -> memref<1x128x64xf32, #tpu.memory_space<vmem>>
        %dma_start3A_404 = tpu.memref_squeeze %dma_start3A_403 : memref<1x128x64xf32, #tpu.memory_space<vmem>> -> memref<128x64xf32, #tpu.memory_space<vmem>>
        tpu.enqueue_dma source(%dma_start3A_404 : memref<128x64xf32, #tpu.memory_space<vmem>>) target(%dma_start3A_400 : memref<128x64xf32, #tpu.memory_space<hbm>>) target_semaphore(%run_scoped3A_392 : memref<!tpu.dma_semaphore, #tpu.memory_space<semaphore_mem>>)
        %dma_wait3A_405 = arith.constant 0 : i32
        %dma_wait3A_406 = arith.constant 0 : i32
        %dma_wait3A_407 = tpu.memref_slice %arg6[%run_scoped3A_195, %dma_wait3A_405, %dma_wait3A_406] : memref<10x128x64xf32, #tpu.memory_space<vmem>> -> memref<1x128x64xf32, #tpu.memory_space<vmem>>
        %dma_wait3A_408 = tpu.memref_squeeze %dma_wait3A_407 : memref<1x128x64xf32, #tpu.memory_space<vmem>> -> memref<128x64xf32, #tpu.memory_space<vmem>>
        %dma_wait3A_409 = arith.constant 0 : i32
        %dma_wait3A_410 = tpu.memref_slice %arg4[%add3A_194, %dma_wait3A_409] : memref<819200x128xf32, #tpu.memory_space<hbm>> -> memref<128x64xf32, #tpu.memory_space<hbm>>
        %dma_wait3A_411 = arith.constant 0 : i32
        %dma_wait3A_412 = tpu.memref_slice %arg4[%add3A_194, %dma_wait3A_411] : memref<819200x128xf32, #tpu.memory_space<hbm>> -> memref<128x64xf32, #tpu.memory_space<hbm>>
        %dma_wait3A_413 = arith.constant 0 : i32
        %dma_wait3A_414 = arith.constant 0 : i32
        %dma_wait3A_415 = tpu.memref_slice %arg6[%run_scoped3A_195, %dma_wait3A_413, %dma_wait3A_414] : memref<10x128x64xf32, #tpu.memory_space<vmem>> -> memref<1x128x64xf32, #tpu.memory_space<vmem>>
        %dma_wait3A_416 = tpu.memref_squeeze %dma_wait3A_415 : memref<1x128x64xf32, #tpu.memory_space<vmem>> -> memref<128x64xf32, #tpu.memory_space<vmem>>
        tpu.wait_dma2 semaphore(%run_scoped3A_392 : memref<!tpu.dma_semaphore, #tpu.memory_space<semaphore_mem>>) src(%dma_wait3A_416 : memref<128x64xf32, #tpu.memory_space<vmem>>) dst(%dma_wait3A_412 : memref<128x64xf32, #tpu.memory_space<hbm>>)
        tpu.yield
      }) : () -> ()
      %mul3A_196 = arith.constant 10 : i32
      %mul3A_197 = arith.muli %scan3A_117, %mul3A_196 : i32
      %add3A_198 = arith.constant 3 : i32
      %add3A_199 = arith.addi %mul3A_197, %add3A_198 : i32
      %add3A_200 = arith.constant 10 : i32
      %add3A_201 = arith.addi %add3A_199, %add3A_200 : i32
      %sub3A_202 = arith.constant 1 : i32
      %sub3A_203 = arith.subi %add3A_201, %sub3A_202 : i32
      %lt3A_204 = arith.constant 200 : i32
      %lt3A_205 = arith.cmpi slt, %sub3A_203, %lt3A_204 : i32
      %convert_element_type3A_206 = arith.extui %lt3A_205 : i1 to i32
      %cond3A_207 = arith.constant 0 : i32
      %cond3A_208 = arith.cmpi ne, %convert_element_type3A_206, %cond3A_207 : i32
      scf.if %cond3A_208 {
        %dma_start3A_392 = arith.constant 2 : i32
        %dma_start3A_393 = arith.constant 0 : i32
        %dma_start3A_394 = arith.constant 0 : i32
        %dma_start3A_395 = tpu.memref_slice %arg6[%dma_start3A_392, %dma_start3A_393, %dma_start3A_394] : memref<10x128x64xf32, #tpu.memory_space<vmem>> -> memref<1x128x64xf32, #tpu.memory_space<vmem>>
        %dma_start3A_396 = tpu.memref_squeeze %dma_start3A_395 : memref<1x128x64xf32, #tpu.memory_space<vmem>> -> memref<128x64xf32, #tpu.memory_space<vmem>>
        %dma_start3A_397 = arith.constant 0 : i32
        %dma_start3A_398 = tpu.memref_slice %arg5[%sub3A_203, %dma_start3A_397] : memref<200x128xi32, #tpu.memory_space<vmem>> -> memref<1x128xi32, #tpu.memory_space<vmem>>
        %dma_start3A_399 = tpu.memref_squeeze %dma_start3A_398 : memref<1x128xi32, #tpu.memory_space<vmem>> -> memref<128xi32, #tpu.memory_space<vmem>>
        %dma_start3A_400 = arith.constant 0 : i32
        %dma_start3A_401 = arith.constant 0 : i32
        %dma_start3A_402 = tpu.memref_slice %arg3[%dma_start3A_400, %dma_start3A_401] : memref<1000000x64xf32, #tpu.memory_space<hbm>> -> memref<1000000x64xf32, #tpu.memory_space<hbm>>
        tpu.enqueue_indirect_dma source(%dma_start3A_402 : memref<1000000x64xf32, #tpu.memory_space<hbm>>) target(%dma_start3A_396 : memref<128x64xf32, #tpu.memory_space<vmem>>) offsets(%dma_start3A_399 : memref<128xi32, #tpu.memory_space<vmem>>) semaphore(%arg9 : memref<!tpu.dma_semaphore, #tpu.memory_space<semaphore_mem>>)
      } else {
      }
      %dma_wait3A_209 = arith.constant 3 : i32
      %dma_wait3A_210 = arith.constant 0 : i32
      %dma_wait3A_211 = arith.constant 0 : i32
      %dma_wait3A_212 = tpu.memref_slice %arg6[%dma_wait3A_209, %dma_wait3A_210, %dma_wait3A_211] : memref<10x128x64xf32, #tpu.memory_space<vmem>> -> memref<1x128x64xf32, #tpu.memory_space<vmem>>
      %dma_wait3A_213 = tpu.memref_squeeze %dma_wait3A_212 : memref<1x128x64xf32, #tpu.memory_space<vmem>> -> memref<128x64xf32, #tpu.memory_space<vmem>>
      %dma_wait3A_214 = arith.constant 0 : i32
      %dma_wait3A_215 = tpu.memref_slice %arg5[%add3A_199, %dma_wait3A_214] : memref<200x128xi32, #tpu.memory_space<vmem>> -> memref<1x128xi32, #tpu.memory_space<vmem>>
      %dma_wait3A_216 = tpu.memref_squeeze %dma_wait3A_215 : memref<1x128xi32, #tpu.memory_space<vmem>> -> memref<128xi32, #tpu.memory_space<vmem>>
      %dma_wait3A_217 = arith.constant 0 : i32
      %dma_wait3A_218 = arith.constant 0 : i32
      %dma_wait3A_219 = tpu.memref_slice %arg3[%dma_wait3A_217, %dma_wait3A_218] : memref<1000000x64xf32, #tpu.memory_space<hbm>> -> memref<1000000x64xf32, #tpu.memory_space<hbm>>
      tpu.wait_indirect_dma semaphore(%arg10 : memref<!tpu.dma_semaphore, #tpu.memory_space<semaphore_mem>>) src(%dma_wait3A_219 : memref<1000000x64xf32, #tpu.memory_space<hbm>>) dst(%dma_wait3A_213 : memref<128x64xf32, #tpu.memory_space<vmem>>)
      %mul3A_220 = arith.constant 128 : i32
      %mul3A_221 = arith.muli %add3A_199, %mul3A_220 : i32
      %add3A_222 = arith.addi %mul3A_2, %mul3A_221 : i32
      %run_scoped3A_223 = arith.constant 3 : i32
      "tpu.region"() ({
        %run_scoped3A_392 = tpu.sem_alloc : memref<!tpu.dma_semaphore, #tpu.memory_space<semaphore_mem>>
        %dma_start3A_393 = arith.constant 0 : i32
        %dma_start3A_394 = arith.constant 0 : i32
        %dma_start3A_395 = tpu.memref_slice %arg6[%run_scoped3A_223, %dma_start3A_393, %dma_start3A_394] : memref<10x128x64xf32, #tpu.memory_space<vmem>> -> memref<1x128x64xf32, #tpu.memory_space<vmem>>
        %dma_start3A_396 = tpu.memref_squeeze %dma_start3A_395 : memref<1x128x64xf32, #tpu.memory_space<vmem>> -> memref<128x64xf32, #tpu.memory_space<vmem>>
        %dma_start3A_397 = arith.constant 0 : i32
        %dma_start3A_398 = tpu.memref_slice %arg4[%add3A_222, %dma_start3A_397] : memref<819200x128xf32, #tpu.memory_space<hbm>> -> memref<128x64xf32, #tpu.memory_space<hbm>>
        %dma_start3A_399 = arith.constant 0 : i32
        %dma_start3A_400 = tpu.memref_slice %arg4[%add3A_222, %dma_start3A_399] : memref<819200x128xf32, #tpu.memory_space<hbm>> -> memref<128x64xf32, #tpu.memory_space<hbm>>
        %dma_start3A_401 = arith.constant 0 : i32
        %dma_start3A_402 = arith.constant 0 : i32
        %dma_start3A_403 = tpu.memref_slice %arg6[%run_scoped3A_223, %dma_start3A_401, %dma_start3A_402] : memref<10x128x64xf32, #tpu.memory_space<vmem>> -> memref<1x128x64xf32, #tpu.memory_space<vmem>>
        %dma_start3A_404 = tpu.memref_squeeze %dma_start3A_403 : memref<1x128x64xf32, #tpu.memory_space<vmem>> -> memref<128x64xf32, #tpu.memory_space<vmem>>
        tpu.enqueue_dma source(%dma_start3A_404 : memref<128x64xf32, #tpu.memory_space<vmem>>) target(%dma_start3A_400 : memref<128x64xf32, #tpu.memory_space<hbm>>) target_semaphore(%run_scoped3A_392 : memref<!tpu.dma_semaphore, #tpu.memory_space<semaphore_mem>>)
        %dma_wait3A_405 = arith.constant 0 : i32
        %dma_wait3A_406 = arith.constant 0 : i32
        %dma_wait3A_407 = tpu.memref_slice %arg6[%run_scoped3A_223, %dma_wait3A_405, %dma_wait3A_406] : memref<10x128x64xf32, #tpu.memory_space<vmem>> -> memref<1x128x64xf32, #tpu.memory_space<vmem>>
        %dma_wait3A_408 = tpu.memref_squeeze %dma_wait3A_407 : memref<1x128x64xf32, #tpu.memory_space<vmem>> -> memref<128x64xf32, #tpu.memory_space<vmem>>
        %dma_wait3A_409 = arith.constant 0 : i32
        %dma_wait3A_410 = tpu.memref_slice %arg4[%add3A_222, %dma_wait3A_409] : memref<819200x128xf32, #tpu.memory_space<hbm>> -> memref<128x64xf32, #tpu.memory_space<hbm>>
        %dma_wait3A_411 = arith.constant 0 : i32
        %dma_wait3A_412 = tpu.memref_slice %arg4[%add3A_222, %dma_wait3A_411] : memref<819200x128xf32, #tpu.memory_space<hbm>> -> memref<128x64xf32, #tpu.memory_space<hbm>>
        %dma_wait3A_413 = arith.constant 0 : i32
        %dma_wait3A_414 = arith.constant 0 : i32
        %dma_wait3A_415 = tpu.memref_slice %arg6[%run_scoped3A_223, %dma_wait3A_413, %dma_wait3A_414] : memref<10x128x64xf32, #tpu.memory_space<vmem>> -> memref<1x128x64xf32, #tpu.memory_space<vmem>>
        %dma_wait3A_416 = tpu.memref_squeeze %dma_wait3A_415 : memref<1x128x64xf32, #tpu.memory_space<vmem>> -> memref<128x64xf32, #tpu.memory_space<vmem>>
        tpu.wait_dma2 semaphore(%run_scoped3A_392 : memref<!tpu.dma_semaphore, #tpu.memory_space<semaphore_mem>>) src(%dma_wait3A_416 : memref<128x64xf32, #tpu.memory_space<vmem>>) dst(%dma_wait3A_412 : memref<128x64xf32, #tpu.memory_space<hbm>>)
        tpu.yield
      }) : () -> ()
      %mul3A_224 = arith.constant 10 : i32
      %mul3A_225 = arith.muli %scan3A_117, %mul3A_224 : i32
      %add3A_226 = arith.constant 4 : i32
      %add3A_227 = arith.addi %mul3A_225, %add3A_226 : i32
      %add3A_228 = arith.constant 10 : i32
      %add3A_229 = arith.addi %add3A_227, %add3A_228 : i32
      %sub3A_230 = arith.constant 1 : i32
      %sub3A_231 = arith.subi %add3A_229, %sub3A_230 : i32
      %lt3A_232 = arith.constant 200 : i32
      %lt3A_233 = arith.cmpi slt, %sub3A_231, %lt3A_232 : i32
      %convert_element_type3A_234 = arith.extui %lt3A_233 : i1 to i32
      %cond3A_235 = arith.constant 0 : i32
      %cond3A_236 = arith.cmpi ne, %convert_element_type3A_234, %cond3A_235 : i32
      scf.if %cond3A_236 {
        %dma_start3A_392 = arith.constant 3 : i32
        %dma_start3A_393 = arith.constant 0 : i32
        %dma_start3A_394 = arith.constant 0 : i32
        %dma_start3A_395 = tpu.memref_slice %arg6[%dma_start3A_392, %dma_start3A_393, %dma_start3A_394] : memref<10x128x64xf32, #tpu.memory_space<vmem>> -> memref<1x128x64xf32, #tpu.memory_space<vmem>>
        %dma_start3A_396 = tpu.memref_squeeze %dma_start3A_395 : memref<1x128x64xf32, #tpu.memory_space<vmem>> -> memref<128x64xf32, #tpu.memory_space<vmem>>
        %dma_start3A_397 = arith.constant 0 : i32
        %dma_start3A_398 = tpu.memref_slice %arg5[%sub3A_231, %dma_start3A_397] : memref<200x128xi32, #tpu.memory_space<vmem>> -> memref<1x128xi32, #tpu.memory_space<vmem>>
        %dma_start3A_399 = tpu.memref_squeeze %dma_start3A_398 : memref<1x128xi32, #tpu.memory_space<vmem>> -> memref<128xi32, #tpu.memory_space<vmem>>
        %dma_start3A_400 = arith.constant 0 : i32
        %dma_start3A_401 = arith.constant 0 : i32
        %dma_start3A_402 = tpu.memref_slice %arg3[%dma_start3A_400, %dma_start3A_401] : memref<1000000x64xf32, #tpu.memory_space<hbm>> -> memref<1000000x64xf32, #tpu.memory_space<hbm>>
        tpu.enqueue_indirect_dma source(%dma_start3A_402 : memref<1000000x64xf32, #tpu.memory_space<hbm>>) target(%dma_start3A_396 : memref<128x64xf32, #tpu.memory_space<vmem>>) offsets(%dma_start3A_399 : memref<128xi32, #tpu.memory_space<vmem>>) semaphore(%arg10 : memref<!tpu.dma_semaphore, #tpu.memory_space<semaphore_mem>>)
      } else {
      }
      %dma_wait3A_237 = arith.constant 4 : i32
      %dma_wait3A_238 = arith.constant 0 : i32
      %dma_wait3A_239 = arith.constant 0 : i32
      %dma_wait3A_240 = tpu.memref_slice %arg6[%dma_wait3A_237, %dma_wait3A_238, %dma_wait3A_239] : memref<10x128x64xf32, #tpu.memory_space<vmem>> -> memref<1x128x64xf32, #tpu.memory_space<vmem>>
      %dma_wait3A_241 = tpu.memref_squeeze %dma_wait3A_240 : memref<1x128x64xf32, #tpu.memory_space<vmem>> -> memref<128x64xf32, #tpu.memory_space<vmem>>
      %dma_wait3A_242 = arith.constant 0 : i32
      %dma_wait3A_243 = tpu.memref_slice %arg5[%add3A_227, %dma_wait3A_242] : memref<200x128xi32, #tpu.memory_space<vmem>> -> memref<1x128xi32, #tpu.memory_space<vmem>>
      %dma_wait3A_244 = tpu.memref_squeeze %dma_wait3A_243 : memref<1x128xi32, #tpu.memory_space<vmem>> -> memref<128xi32, #tpu.memory_space<vmem>>
      %dma_wait3A_245 = arith.constant 0 : i32
      %dma_wait3A_246 = arith.constant 0 : i32
      %dma_wait3A_247 = tpu.memref_slice %arg3[%dma_wait3A_245, %dma_wait3A_246] : memref<1000000x64xf32, #tpu.memory_space<hbm>> -> memref<1000000x64xf32, #tpu.memory_space<hbm>>
      tpu.wait_indirect_dma semaphore(%arg11 : memref<!tpu.dma_semaphore, #tpu.memory_space<semaphore_mem>>) src(%dma_wait3A_247 : memref<1000000x64xf32, #tpu.memory_space<hbm>>) dst(%dma_wait3A_241 : memref<128x64xf32, #tpu.memory_space<vmem>>)
      %mul3A_248 = arith.constant 128 : i32
      %mul3A_249 = arith.muli %add3A_227, %mul3A_248 : i32
      %add3A_250 = arith.addi %mul3A_2, %mul3A_249 : i32
      %run_scoped3A_251 = arith.constant 4 : i32
      "tpu.region"() ({
        %run_scoped3A_392 = tpu.sem_alloc : memref<!tpu.dma_semaphore, #tpu.memory_space<semaphore_mem>>
        %dma_start3A_393 = arith.constant 0 : i32
        %dma_start3A_394 = arith.constant 0 : i32
        %dma_start3A_395 = tpu.memref_slice %arg6[%run_scoped3A_251, %dma_start3A_393, %dma_start3A_394] : memref<10x128x64xf32, #tpu.memory_space<vmem>> -> memref<1x128x64xf32, #tpu.memory_space<vmem>>
        %dma_start3A_396 = tpu.memref_squeeze %dma_start3A_395 : memref<1x128x64xf32, #tpu.memory_space<vmem>> -> memref<128x64xf32, #tpu.memory_space<vmem>>
        %dma_start3A_397 = arith.constant 0 : i32
        %dma_start3A_398 = tpu.memref_slice %arg4[%add3A_250, %dma_start3A_397] : memref<819200x128xf32, #tpu.memory_space<hbm>> -> memref<128x64xf32, #tpu.memory_space<hbm>>
        %dma_start3A_399 = arith.constant 0 : i32
        %dma_start3A_400 = tpu.memref_slice %arg4[%add3A_250, %dma_start3A_399] : memref<819200x128xf32, #tpu.memory_space<hbm>> -> memref<128x64xf32, #tpu.memory_space<hbm>>
        %dma_start3A_401 = arith.constant 0 : i32
        %dma_start3A_402 = arith.constant 0 : i32
        %dma_start3A_403 = tpu.memref_slice %arg6[%run_scoped3A_251, %dma_start3A_401, %dma_start3A_402] : memref<10x128x64xf32, #tpu.memory_space<vmem>> -> memref<1x128x64xf32, #tpu.memory_space<vmem>>
        %dma_start3A_404 = tpu.memref_squeeze %dma_start3A_403 : memref<1x128x64xf32, #tpu.memory_space<vmem>> -> memref<128x64xf32, #tpu.memory_space<vmem>>
        tpu.enqueue_dma source(%dma_start3A_404 : memref<128x64xf32, #tpu.memory_space<vmem>>) target(%dma_start3A_400 : memref<128x64xf32, #tpu.memory_space<hbm>>) target_semaphore(%run_scoped3A_392 : memref<!tpu.dma_semaphore, #tpu.memory_space<semaphore_mem>>)
        %dma_wait3A_405 = arith.constant 0 : i32
        %dma_wait3A_406 = arith.constant 0 : i32
        %dma_wait3A_407 = tpu.memref_slice %arg6[%run_scoped3A_251, %dma_wait3A_405, %dma_wait3A_406] : memref<10x128x64xf32, #tpu.memory_space<vmem>> -> memref<1x128x64xf32, #tpu.memory_space<vmem>>
        %dma_wait3A_408 = tpu.memref_squeeze %dma_wait3A_407 : memref<1x128x64xf32, #tpu.memory_space<vmem>> -> memref<128x64xf32, #tpu.memory_space<vmem>>
        %dma_wait3A_409 = arith.constant 0 : i32
        %dma_wait3A_410 = tpu.memref_slice %arg4[%add3A_250, %dma_wait3A_409] : memref<819200x128xf32, #tpu.memory_space<hbm>> -> memref<128x64xf32, #tpu.memory_space<hbm>>
        %dma_wait3A_411 = arith.constant 0 : i32
        %dma_wait3A_412 = tpu.memref_slice %arg4[%add3A_250, %dma_wait3A_411] : memref<819200x128xf32, #tpu.memory_space<hbm>> -> memref<128x64xf32, #tpu.memory_space<hbm>>
        %dma_wait3A_413 = arith.constant 0 : i32
        %dma_wait3A_414 = arith.constant 0 : i32
        %dma_wait3A_415 = tpu.memref_slice %arg6[%run_scoped3A_251, %dma_wait3A_413, %dma_wait3A_414] : memref<10x128x64xf32, #tpu.memory_space<vmem>> -> memref<1x128x64xf32, #tpu.memory_space<vmem>>
        %dma_wait3A_416 = tpu.memref_squeeze %dma_wait3A_415 : memref<1x128x64xf32, #tpu.memory_space<vmem>> -> memref<128x64xf32, #tpu.memory_space<vmem>>
        tpu.wait_dma2 semaphore(%run_scoped3A_392 : memref<!tpu.dma_semaphore, #tpu.memory_space<semaphore_mem>>) src(%dma_wait3A_416 : memref<128x64xf32, #tpu.memory_space<vmem>>) dst(%dma_wait3A_412 : memref<128x64xf32, #tpu.memory_space<hbm>>)
        tpu.yield
      }) : () -> ()
      %mul3A_252 = arith.constant 10 : i32
      %mul3A_253 = arith.muli %scan3A_117, %mul3A_252 : i32
      %add3A_254 = arith.constant 5 : i32
      %add3A_255 = arith.addi %mul3A_253, %add3A_254 : i32
      %add3A_256 = arith.constant 10 : i32
      %add3A_257 = arith.addi %add3A_255, %add3A_256 : i32
      %sub3A_258 = arith.constant 1 : i32
      %sub3A_259 = arith.subi %add3A_257, %sub3A_258 : i32
      %lt3A_260 = arith.constant 200 : i32
      %lt3A_261 = arith.cmpi slt, %sub3A_259, %lt3A_260 : i32
      %convert_element_type3A_262 = arith.extui %lt3A_261 : i1 to i32
      %cond3A_263 = arith.constant 0 : i32
      %cond3A_264 = arith.cmpi ne, %convert_element_type3A_262, %cond3A_263 : i32
      scf.if %cond3A_264 {
        %dma_start3A_392 = arith.constant 4 : i32
        %dma_start3A_393 = arith.constant 0 : i32
        %dma_start3A_394 = arith.constant 0 : i32
        %dma_start3A_395 = tpu.memref_slice %arg6[%dma_start3A_392, %dma_start3A_393, %dma_start3A_394] : memref<10x128x64xf32, #tpu.memory_space<vmem>> -> memref<1x128x64xf32, #tpu.memory_space<vmem>>
        %dma_start3A_396 = tpu.memref_squeeze %dma_start3A_395 : memref<1x128x64xf32, #tpu.memory_space<vmem>> -> memref<128x64xf32, #tpu.memory_space<vmem>>
        %dma_start3A_397 = arith.constant 0 : i32
        %dma_start3A_398 = tpu.memref_slice %arg5[%sub3A_259, %dma_start3A_397] : memref<200x128xi32, #tpu.memory_space<vmem>> -> memref<1x128xi32, #tpu.memory_space<vmem>>
        %dma_start3A_399 = tpu.memref_squeeze %dma_start3A_398 : memref<1x128xi32, #tpu.memory_space<vmem>> -> memref<128xi32, #tpu.memory_space<vmem>>
        %dma_start3A_400 = arith.constant 0 : i32
        %dma_start3A_401 = arith.constant 0 : i32
        %dma_start3A_402 = tpu.memref_slice %arg3[%dma_start3A_400, %dma_start3A_401] : memref<1000000x64xf32, #tpu.memory_space<hbm>> -> memref<1000000x64xf32, #tpu.memory_space<hbm>>
        tpu.enqueue_indirect_dma source(%dma_start3A_402 : memref<1000000x64xf32, #tpu.memory_space<hbm>>) target(%dma_start3A_396 : memref<128x64xf32, #tpu.memory_space<vmem>>) offsets(%dma_start3A_399 : memref<128xi32, #tpu.memory_space<vmem>>) semaphore(%arg11 : memref<!tpu.dma_semaphore, #tpu.memory_space<semaphore_mem>>)
      } else {
      }
      %dma_wait3A_265 = arith.constant 5 : i32
      %dma_wait3A_266 = arith.constant 0 : i32
      %dma_wait3A_267 = arith.constant 0 : i32
      %dma_wait3A_268 = tpu.memref_slice %arg6[%dma_wait3A_265, %dma_wait3A_266, %dma_wait3A_267] : memref<10x128x64xf32, #tpu.memory_space<vmem>> -> memref<1x128x64xf32, #tpu.memory_space<vmem>>
      %dma_wait3A_269 = tpu.memref_squeeze %dma_wait3A_268 : memref<1x128x64xf32, #tpu.memory_space<vmem>> -> memref<128x64xf32, #tpu.memory_space<vmem>>
      %dma_wait3A_270 = arith.constant 0 : i32
      %dma_wait3A_271 = tpu.memref_slice %arg5[%add3A_255, %dma_wait3A_270] : memref<200x128xi32, #tpu.memory_space<vmem>> -> memref<1x128xi32, #tpu.memory_space<vmem>>
      %dma_wait3A_272 = tpu.memref_squeeze %dma_wait3A_271 : memref<1x128xi32, #tpu.memory_space<vmem>> -> memref<128xi32, #tpu.memory_space<vmem>>
      %dma_wait3A_273 = arith.constant 0 : i32
      %dma_wait3A_274 = arith.constant 0 : i32
      %dma_wait3A_275 = tpu.memref_slice %arg3[%dma_wait3A_273, %dma_wait3A_274] : memref<1000000x64xf32, #tpu.memory_space<hbm>> -> memref<1000000x64xf32, #tpu.memory_space<hbm>>
      tpu.wait_indirect_dma semaphore(%arg12 : memref<!tpu.dma_semaphore, #tpu.memory_space<semaphore_mem>>) src(%dma_wait3A_275 : memref<1000000x64xf32, #tpu.memory_space<hbm>>) dst(%dma_wait3A_269 : memref<128x64xf32, #tpu.memory_space<vmem>>)
      %mul3A_276 = arith.constant 128 : i32
      %mul3A_277 = arith.muli %add3A_255, %mul3A_276 : i32
      %add3A_278 = arith.addi %mul3A_2, %mul3A_277 : i32
      %run_scoped3A_279 = arith.constant 5 : i32
      "tpu.region"() ({
        %run_scoped3A_392 = tpu.sem_alloc : memref<!tpu.dma_semaphore, #tpu.memory_space<semaphore_mem>>
        %dma_start3A_393 = arith.constant 0 : i32
        %dma_start3A_394 = arith.constant 0 : i32
        %dma_start3A_395 = tpu.memref_slice %arg6[%run_scoped3A_279, %dma_start3A_393, %dma_start3A_394] : memref<10x128x64xf32, #tpu.memory_space<vmem>> -> memref<1x128x64xf32, #tpu.memory_space<vmem>>
        %dma_start3A_396 = tpu.memref_squeeze %dma_start3A_395 : memref<1x128x64xf32, #tpu.memory_space<vmem>> -> memref<128x64xf32, #tpu.memory_space<vmem>>
        %dma_start3A_397 = arith.constant 0 : i32
        %dma_start3A_398 = tpu.memref_slice %arg4[%add3A_278, %dma_start3A_397] : memref<819200x128xf32, #tpu.memory_space<hbm>> -> memref<128x64xf32, #tpu.memory_space<hbm>>
        %dma_start3A_399 = arith.constant 0 : i32
        %dma_start3A_400 = tpu.memref_slice %arg4[%add3A_278, %dma_start3A_399] : memref<819200x128xf32, #tpu.memory_space<hbm>> -> memref<128x64xf32, #tpu.memory_space<hbm>>
        %dma_start3A_401 = arith.constant 0 : i32
        %dma_start3A_402 = arith.constant 0 : i32
        %dma_start3A_403 = tpu.memref_slice %arg6[%run_scoped3A_279, %dma_start3A_401, %dma_start3A_402] : memref<10x128x64xf32, #tpu.memory_space<vmem>> -> memref<1x128x64xf32, #tpu.memory_space<vmem>>
        %dma_start3A_404 = tpu.memref_squeeze %dma_start3A_403 : memref<1x128x64xf32, #tpu.memory_space<vmem>> -> memref<128x64xf32, #tpu.memory_space<vmem>>
        tpu.enqueue_dma source(%dma_start3A_404 : memref<128x64xf32, #tpu.memory_space<vmem>>) target(%dma_start3A_400 : memref<128x64xf32, #tpu.memory_space<hbm>>) target_semaphore(%run_scoped3A_392 : memref<!tpu.dma_semaphore, #tpu.memory_space<semaphore_mem>>)
        %dma_wait3A_405 = arith.constant 0 : i32
        %dma_wait3A_406 = arith.constant 0 : i32
        %dma_wait3A_407 = tpu.memref_slice %arg6[%run_scoped3A_279, %dma_wait3A_405, %dma_wait3A_406] : memref<10x128x64xf32, #tpu.memory_space<vmem>> -> memref<1x128x64xf32, #tpu.memory_space<vmem>>
        %dma_wait3A_408 = tpu.memref_squeeze %dma_wait3A_407 : memref<1x128x64xf32, #tpu.memory_space<vmem>> -> memref<128x64xf32, #tpu.memory_space<vmem>>
        %dma_wait3A_409 = arith.constant 0 : i32
        %dma_wait3A_410 = tpu.memref_slice %arg4[%add3A_278, %dma_wait3A_409] : memref<819200x128xf32, #tpu.memory_space<hbm>> -> memref<128x64xf32, #tpu.memory_space<hbm>>
        %dma_wait3A_411 = arith.constant 0 : i32
        %dma_wait3A_412 = tpu.memref_slice %arg4[%add3A_278, %dma_wait3A_411] : memref<819200x128xf32, #tpu.memory_space<hbm>> -> memref<128x64xf32, #tpu.memory_space<hbm>>
        %dma_wait3A_413 = arith.constant 0 : i32
        %dma_wait3A_414 = arith.constant 0 : i32
        %dma_wait3A_415 = tpu.memref_slice %arg6[%run_scoped3A_279, %dma_wait3A_413, %dma_wait3A_414] : memref<10x128x64xf32, #tpu.memory_space<vmem>> -> memref<1x128x64xf32, #tpu.memory_space<vmem>>
        %dma_wait3A_416 = tpu.memref_squeeze %dma_wait3A_415 : memref<1x128x64xf32, #tpu.memory_space<vmem>> -> memref<128x64xf32, #tpu.memory_space<vmem>>
        tpu.wait_dma2 semaphore(%run_scoped3A_392 : memref<!tpu.dma_semaphore, #tpu.memory_space<semaphore_mem>>) src(%dma_wait3A_416 : memref<128x64xf32, #tpu.memory_space<vmem>>) dst(%dma_wait3A_412 : memref<128x64xf32, #tpu.memory_space<hbm>>)
        tpu.yield
      }) : () -> ()
      %mul3A_280 = arith.constant 10 : i32
      %mul3A_281 = arith.muli %scan3A_117, %mul3A_280 : i32
      %add3A_282 = arith.constant 6 : i32
      %add3A_283 = arith.addi %mul3A_281, %add3A_282 : i32
      %add3A_284 = arith.constant 10 : i32
      %add3A_285 = arith.addi %add3A_283, %add3A_284 : i32
      %sub3A_286 = arith.constant 1 : i32
      %sub3A_287 = arith.subi %add3A_285, %sub3A_286 : i32
      %lt3A_288 = arith.constant 200 : i32
      %lt3A_289 = arith.cmpi slt, %sub3A_287, %lt3A_288 : i32
      %convert_element_type3A_290 = arith.extui %lt3A_289 : i1 to i32
      %cond3A_291 = arith.constant 0 : i32
      %cond3A_292 = arith.cmpi ne, %convert_element_type3A_290, %cond3A_291 : i32
      scf.if %cond3A_292 {
        %dma_start3A_392 = arith.constant 5 : i32
        %dma_start3A_393 = arith.constant 0 : i32
        %dma_start3A_394 = arith.constant 0 : i32
        %dma_start3A_395 = tpu.memref_slice %arg6[%dma_start3A_392, %dma_start3A_393, %dma_start3A_394] : memref<10x128x64xf32, #tpu.memory_space<vmem>> -> memref<1x128x64xf32, #tpu.memory_space<vmem>>
        %dma_start3A_396 = tpu.memref_squeeze %dma_start3A_395 : memref<1x128x64xf32, #tpu.memory_space<vmem>> -> memref<128x64xf32, #tpu.memory_space<vmem>>
        %dma_start3A_397 = arith.constant 0 : i32
        %dma_start3A_398 = tpu.memref_slice %arg5[%sub3A_287, %dma_start3A_397] : memref<200x128xi32, #tpu.memory_space<vmem>> -> memref<1x128xi32, #tpu.memory_space<vmem>>
        %dma_start3A_399 = tpu.memref_squeeze %dma_start3A_398 : memref<1x128xi32, #tpu.memory_space<vmem>> -> memref<128xi32, #tpu.memory_space<vmem>>
        %dma_start3A_400 = arith.constant 0 : i32
        %dma_start3A_401 = arith.constant 0 : i32
        %dma_start3A_402 = tpu.memref_slice %arg3[%dma_start3A_400, %dma_start3A_401] : memref<1000000x64xf32, #tpu.memory_space<hbm>> -> memref<1000000x64xf32, #tpu.memory_space<hbm>>
        tpu.enqueue_indirect_dma source(%dma_start3A_402 : memref<1000000x64xf32, #tpu.memory_space<hbm>>) target(%dma_start3A_396 : memref<128x64xf32, #tpu.memory_space<vmem>>) offsets(%dma_start3A_399 : memref<128xi32, #tpu.memory_space<vmem>>) semaphore(%arg12 : memref<!tpu.dma_semaphore, #tpu.memory_space<semaphore_mem>>)
      } else {
      }
      %dma_wait3A_293 = arith.constant 6 : i32
      %dma_wait3A_294 = arith.constant 0 : i32
      %dma_wait3A_295 = arith.constant 0 : i32
      %dma_wait3A_296 = tpu.memref_slice %arg6[%dma_wait3A_293, %dma_wait3A_294, %dma_wait3A_295] : memref<10x128x64xf32, #tpu.memory_space<vmem>> -> memref<1x128x64xf32, #tpu.memory_space<vmem>>
      %dma_wait3A_297 = tpu.memref_squeeze %dma_wait3A_296 : memref<1x128x64xf32, #tpu.memory_space<vmem>> -> memref<128x64xf32, #tpu.memory_space<vmem>>
      %dma_wait3A_298 = arith.constant 0 : i32
      %dma_wait3A_299 = tpu.memref_slice %arg5[%add3A_283, %dma_wait3A_298] : memref<200x128xi32, #tpu.memory_space<vmem>> -> memref<1x128xi32, #tpu.memory_space<vmem>>
      %dma_wait3A_300 = tpu.memref_squeeze %dma_wait3A_299 : memref<1x128xi32, #tpu.memory_space<vmem>> -> memref<128xi32, #tpu.memory_space<vmem>>
      %dma_wait3A_301 = arith.constant 0 : i32
      %dma_wait3A_302 = arith.constant 0 : i32
      %dma_wait3A_303 = tpu.memref_slice %arg3[%dma_wait3A_301, %dma_wait3A_302] : memref<1000000x64xf32, #tpu.memory_space<hbm>> -> memref<1000000x64xf32, #tpu.memory_space<hbm>>
      tpu.wait_indirect_dma semaphore(%arg13 : memref<!tpu.dma_semaphore, #tpu.memory_space<semaphore_mem>>) src(%dma_wait3A_303 : memref<1000000x64xf32, #tpu.memory_space<hbm>>) dst(%dma_wait3A_297 : memref<128x64xf32, #tpu.memory_space<vmem>>)
      %mul3A_304 = arith.constant 128 : i32
      %mul3A_305 = arith.muli %add3A_283, %mul3A_304 : i32
      %add3A_306 = arith.addi %mul3A_2, %mul3A_305 : i32
      %run_scoped3A_307 = arith.constant 6 : i32
      "tpu.region"() ({
        %run_scoped3A_392 = tpu.sem_alloc : memref<!tpu.dma_semaphore, #tpu.memory_space<semaphore_mem>>
        %dma_start3A_393 = arith.constant 0 : i32
        %dma_start3A_394 = arith.constant 0 : i32
        %dma_start3A_395 = tpu.memref_slice %arg6[%run_scoped3A_307, %dma_start3A_393, %dma_start3A_394] : memref<10x128x64xf32, #tpu.memory_space<vmem>> -> memref<1x128x64xf32, #tpu.memory_space<vmem>>
        %dma_start3A_396 = tpu.memref_squeeze %dma_start3A_395 : memref<1x128x64xf32, #tpu.memory_space<vmem>> -> memref<128x64xf32, #tpu.memory_space<vmem>>
        %dma_start3A_397 = arith.constant 0 : i32
        %dma_start3A_398 = tpu.memref_slice %arg4[%add3A_306, %dma_start3A_397] : memref<819200x128xf32, #tpu.memory_space<hbm>> -> memref<128x64xf32, #tpu.memory_space<hbm>>
        %dma_start3A_399 = arith.constant 0 : i32
        %dma_start3A_400 = tpu.memref_slice %arg4[%add3A_306, %dma_start3A_399] : memref<819200x128xf32, #tpu.memory_space<hbm>> -> memref<128x64xf32, #tpu.memory_space<hbm>>
        %dma_start3A_401 = arith.constant 0 : i32
        %dma_start3A_402 = arith.constant 0 : i32
        %dma_start3A_403 = tpu.memref_slice %arg6[%run_scoped3A_307, %dma_start3A_401, %dma_start3A_402] : memref<10x128x64xf32, #tpu.memory_space<vmem>> -> memref<1x128x64xf32, #tpu.memory_space<vmem>>
        %dma_start3A_404 = tpu.memref_squeeze %dma_start3A_403 : memref<1x128x64xf32, #tpu.memory_space<vmem>> -> memref<128x64xf32, #tpu.memory_space<vmem>>
        tpu.enqueue_dma source(%dma_start3A_404 : memref<128x64xf32, #tpu.memory_space<vmem>>) target(%dma_start3A_400 : memref<128x64xf32, #tpu.memory_space<hbm>>) target_semaphore(%run_scoped3A_392 : memref<!tpu.dma_semaphore, #tpu.memory_space<semaphore_mem>>)
        %dma_wait3A_405 = arith.constant 0 : i32
        %dma_wait3A_406 = arith.constant 0 : i32
        %dma_wait3A_407 = tpu.memref_slice %arg6[%run_scoped3A_307, %dma_wait3A_405, %dma_wait3A_406] : memref<10x128x64xf32, #tpu.memory_space<vmem>> -> memref<1x128x64xf32, #tpu.memory_space<vmem>>
        %dma_wait3A_408 = tpu.memref_squeeze %dma_wait3A_407 : memref<1x128x64xf32, #tpu.memory_space<vmem>> -> memref<128x64xf32, #tpu.memory_space<vmem>>
        %dma_wait3A_409 = arith.constant 0 : i32
        %dma_wait3A_410 = tpu.memref_slice %arg4[%add3A_306, %dma_wait3A_409] : memref<819200x128xf32, #tpu.memory_space<hbm>> -> memref<128x64xf32, #tpu.memory_space<hbm>>
        %dma_wait3A_411 = arith.constant 0 : i32
        %dma_wait3A_412 = tpu.memref_slice %arg4[%add3A_306, %dma_wait3A_411] : memref<819200x128xf32, #tpu.memory_space<hbm>> -> memref<128x64xf32, #tpu.memory_space<hbm>>
        %dma_wait3A_413 = arith.constant 0 : i32
        %dma_wait3A_414 = arith.constant 0 : i32
        %dma_wait3A_415 = tpu.memref_slice %arg6[%run_scoped3A_307, %dma_wait3A_413, %dma_wait3A_414] : memref<10x128x64xf32, #tpu.memory_space<vmem>> -> memref<1x128x64xf32, #tpu.memory_space<vmem>>
        %dma_wait3A_416 = tpu.memref_squeeze %dma_wait3A_415 : memref<1x128x64xf32, #tpu.memory_space<vmem>> -> memref<128x64xf32, #tpu.memory_space<vmem>>
        tpu.wait_dma2 semaphore(%run_scoped3A_392 : memref<!tpu.dma_semaphore, #tpu.memory_space<semaphore_mem>>) src(%dma_wait3A_416 : memref<128x64xf32, #tpu.memory_space<vmem>>) dst(%dma_wait3A_412 : memref<128x64xf32, #tpu.memory_space<hbm>>)
        tpu.yield
      }) : () -> ()
      %mul3A_308 = arith.constant 10 : i32
      %mul3A_309 = arith.muli %scan3A_117, %mul3A_308 : i32
      %add3A_310 = arith.constant 7 : i32
      %add3A_311 = arith.addi %mul3A_309, %add3A_310 : i32
      %add3A_312 = arith.constant 10 : i32
      %add3A_313 = arith.addi %add3A_311, %add3A_312 : i32
      %sub3A_314 = arith.constant 1 : i32
      %sub3A_315 = arith.subi %add3A_313, %sub3A_314 : i32
      %lt3A_316 = arith.constant 200 : i32
      %lt3A_317 = arith.cmpi slt, %sub3A_315, %lt3A_316 : i32
      %convert_element_type3A_318 = arith.extui %lt3A_317 : i1 to i32
      %cond3A_319 = arith.constant 0 : i32
      %cond3A_320 = arith.cmpi ne, %convert_element_type3A_318, %cond3A_319 : i32
      scf.if %cond3A_320 {
        %dma_start3A_392 = arith.constant 6 : i32
        %dma_start3A_393 = arith.constant 0 : i32
        %dma_start3A_394 = arith.constant 0 : i32
        %dma_start3A_395 = tpu.memref_slice %arg6[%dma_start3A_392, %dma_start3A_393, %dma_start3A_394] : memref<10x128x64xf32, #tpu.memory_space<vmem>> -> memref<1x128x64xf32, #tpu.memory_space<vmem>>
        %dma_start3A_396 = tpu.memref_squeeze %dma_start3A_395 : memref<1x128x64xf32, #tpu.memory_space<vmem>> -> memref<128x64xf32, #tpu.memory_space<vmem>>
        %dma_start3A_397 = arith.constant 0 : i32
        %dma_start3A_398 = tpu.memref_slice %arg5[%sub3A_315, %dma_start3A_397] : memref<200x128xi32, #tpu.memory_space<vmem>> -> memref<1x128xi32, #tpu.memory_space<vmem>>
        %dma_start3A_399 = tpu.memref_squeeze %dma_start3A_398 : memref<1x128xi32, #tpu.memory_space<vmem>> -> memref<128xi32, #tpu.memory_space<vmem>>
        %dma_start3A_400 = arith.constant 0 : i32
        %dma_start3A_401 = arith.constant 0 : i32
        %dma_start3A_402 = tpu.memref_slice %arg3[%dma_start3A_400, %dma_start3A_401] : memref<1000000x64xf32, #tpu.memory_space<hbm>> -> memref<1000000x64xf32, #tpu.memory_space<hbm>>
        tpu.enqueue_indirect_dma source(%dma_start3A_402 : memref<1000000x64xf32, #tpu.memory_space<hbm>>) target(%dma_start3A_396 : memref<128x64xf32, #tpu.memory_space<vmem>>) offsets(%dma_start3A_399 : memref<128xi32, #tpu.memory_space<vmem>>) semaphore(%arg13 : memref<!tpu.dma_semaphore, #tpu.memory_space<semaphore_mem>>)
      } else {
      }
      %dma_wait3A_321 = arith.constant 7 : i32
      %dma_wait3A_322 = arith.constant 0 : i32
      %dma_wait3A_323 = arith.constant 0 : i32
      %dma_wait3A_324 = tpu.memref_slice %arg6[%dma_wait3A_321, %dma_wait3A_322, %dma_wait3A_323] : memref<10x128x64xf32, #tpu.memory_space<vmem>> -> memref<1x128x64xf32, #tpu.memory_space<vmem>>
      %dma_wait3A_325 = tpu.memref_squeeze %dma_wait3A_324 : memref<1x128x64xf32, #tpu.memory_space<vmem>> -> memref<128x64xf32, #tpu.memory_space<vmem>>
      %dma_wait3A_326 = arith.constant 0 : i32
      %dma_wait3A_327 = tpu.memref_slice %arg5[%add3A_311, %dma_wait3A_326] : memref<200x128xi32, #tpu.memory_space<vmem>> -> memref<1x128xi32, #tpu.memory_space<vmem>>
      %dma_wait3A_328 = tpu.memref_squeeze %dma_wait3A_327 : memref<1x128xi32, #tpu.memory_space<vmem>> -> memref<128xi32, #tpu.memory_space<vmem>>
      %dma_wait3A_329 = arith.constant 0 : i32
      %dma_wait3A_330 = arith.constant 0 : i32
      %dma_wait3A_331 = tpu.memref_slice %arg3[%dma_wait3A_329, %dma_wait3A_330] : memref<1000000x64xf32, #tpu.memory_space<hbm>> -> memref<1000000x64xf32, #tpu.memory_space<hbm>>
      tpu.wait_indirect_dma semaphore(%arg14 : memref<!tpu.dma_semaphore, #tpu.memory_space<semaphore_mem>>) src(%dma_wait3A_331 : memref<1000000x64xf32, #tpu.memory_space<hbm>>) dst(%dma_wait3A_325 : memref<128x64xf32, #tpu.memory_space<vmem>>)
      %mul3A_332 = arith.constant 128 : i32
      %mul3A_333 = arith.muli %add3A_311, %mul3A_332 : i32
      %add3A_334 = arith.addi %mul3A_2, %mul3A_333 : i32
      %run_scoped3A_335 = arith.constant 7 : i32
      "tpu.region"() ({
        %run_scoped3A_392 = tpu.sem_alloc : memref<!tpu.dma_semaphore, #tpu.memory_space<semaphore_mem>>
        %dma_start3A_393 = arith.constant 0 : i32
        %dma_start3A_394 = arith.constant 0 : i32
        %dma_start3A_395 = tpu.memref_slice %arg6[%run_scoped3A_335, %dma_start3A_393, %dma_start3A_394] : memref<10x128x64xf32, #tpu.memory_space<vmem>> -> memref<1x128x64xf32, #tpu.memory_space<vmem>>
        %dma_start3A_396 = tpu.memref_squeeze %dma_start3A_395 : memref<1x128x64xf32, #tpu.memory_space<vmem>> -> memref<128x64xf32, #tpu.memory_space<vmem>>
        %dma_start3A_397 = arith.constant 0 : i32
        %dma_start3A_398 = tpu.memref_slice %arg4[%add3A_334, %dma_start3A_397] : memref<819200x128xf32, #tpu.memory_space<hbm>> -> memref<128x64xf32, #tpu.memory_space<hbm>>
        %dma_start3A_399 = arith.constant 0 : i32
        %dma_start3A_400 = tpu.memref_slice %arg4[%add3A_334, %dma_start3A_399] : memref<819200x128xf32, #tpu.memory_space<hbm>> -> memref<128x64xf32, #tpu.memory_space<hbm>>
        %dma_start3A_401 = arith.constant 0 : i32
        %dma_start3A_402 = arith.constant 0 : i32
        %dma_start3A_403 = tpu.memref_slice %arg6[%run_scoped3A_335, %dma_start3A_401, %dma_start3A_402] : memref<10x128x64xf32, #tpu.memory_space<vmem>> -> memref<1x128x64xf32, #tpu.memory_space<vmem>>
        %dma_start3A_404 = tpu.memref_squeeze %dma_start3A_403 : memref<1x128x64xf32, #tpu.memory_space<vmem>> -> memref<128x64xf32, #tpu.memory_space<vmem>>
        tpu.enqueue_dma source(%dma_start3A_404 : memref<128x64xf32, #tpu.memory_space<vmem>>) target(%dma_start3A_400 : memref<128x64xf32, #tpu.memory_space<hbm>>) target_semaphore(%run_scoped3A_392 : memref<!tpu.dma_semaphore, #tpu.memory_space<semaphore_mem>>)
        %dma_wait3A_405 = arith.constant 0 : i32
        %dma_wait3A_406 = arith.constant 0 : i32
        %dma_wait3A_407 = tpu.memref_slice %arg6[%run_scoped3A_335, %dma_wait3A_405, %dma_wait3A_406] : memref<10x128x64xf32, #tpu.memory_space<vmem>> -> memref<1x128x64xf32, #tpu.memory_space<vmem>>
        %dma_wait3A_408 = tpu.memref_squeeze %dma_wait3A_407 : memref<1x128x64xf32, #tpu.memory_space<vmem>> -> memref<128x64xf32, #tpu.memory_space<vmem>>
        %dma_wait3A_409 = arith.constant 0 : i32
        %dma_wait3A_410 = tpu.memref_slice %arg4[%add3A_334, %dma_wait3A_409] : memref<819200x128xf32, #tpu.memory_space<hbm>> -> memref<128x64xf32, #tpu.memory_space<hbm>>
        %dma_wait3A_411 = arith.constant 0 : i32
        %dma_wait3A_412 = tpu.memref_slice %arg4[%add3A_334, %dma_wait3A_411] : memref<819200x128xf32, #tpu.memory_space<hbm>> -> memref<128x64xf32, #tpu.memory_space<hbm>>
        %dma_wait3A_413 = arith.constant 0 : i32
        %dma_wait3A_414 = arith.constant 0 : i32
        %dma_wait3A_415 = tpu.memref_slice %arg6[%run_scoped3A_335, %dma_wait3A_413, %dma_wait3A_414] : memref<10x128x64xf32, #tpu.memory_space<vmem>> -> memref<1x128x64xf32, #tpu.memory_space<vmem>>
        %dma_wait3A_416 = tpu.memref_squeeze %dma_wait3A_415 : memref<1x128x64xf32, #tpu.memory_space<vmem>> -> memref<128x64xf32, #tpu.memory_space<vmem>>
        tpu.wait_dma2 semaphore(%run_scoped3A_392 : memref<!tpu.dma_semaphore, #tpu.memory_space<semaphore_mem>>) src(%dma_wait3A_416 : memref<128x64xf32, #tpu.memory_space<vmem>>) dst(%dma_wait3A_412 : memref<128x64xf32, #tpu.memory_space<hbm>>)
        tpu.yield
      }) : () -> ()
      %mul3A_336 = arith.constant 10 : i32
      %mul3A_337 = arith.muli %scan3A_117, %mul3A_336 : i32
      %add3A_338 = arith.constant 8 : i32
      %add3A_339 = arith.addi %mul3A_337, %add3A_338 : i32
      %add3A_340 = arith.constant 10 : i32
      %add3A_341 = arith.addi %add3A_339, %add3A_340 : i32
      %sub3A_342 = arith.constant 1 : i32
      %sub3A_343 = arith.subi %add3A_341, %sub3A_342 : i32
      %lt3A_344 = arith.constant 200 : i32
      %lt3A_345 = arith.cmpi slt, %sub3A_343, %lt3A_344 : i32
      %convert_element_type3A_346 = arith.extui %lt3A_345 : i1 to i32
      %cond3A_347 = arith.constant 0 : i32
      %cond3A_348 = arith.cmpi ne, %convert_element_type3A_346, %cond3A_347 : i32
      scf.if %cond3A_348 {
        %dma_start3A_392 = arith.constant 7 : i32
        %dma_start3A_393 = arith.constant 0 : i32
        %dma_start3A_394 = arith.constant 0 : i32
        %dma_start3A_395 = tpu.memref_slice %arg6[%dma_start3A_392, %dma_start3A_393, %dma_start3A_394] : memref<10x128x64xf32, #tpu.memory_space<vmem>> -> memref<1x128x64xf32, #tpu.memory_space<vmem>>
        %dma_start3A_396 = tpu.memref_squeeze %dma_start3A_395 : memref<1x128x64xf32, #tpu.memory_space<vmem>> -> memref<128x64xf32, #tpu.memory_space<vmem>>
        %dma_start3A_397 = arith.constant 0 : i32
        %dma_start3A_398 = tpu.memref_slice %arg5[%sub3A_343, %dma_start3A_397] : memref<200x128xi32, #tpu.memory_space<vmem>> -> memref<1x128xi32, #tpu.memory_space<vmem>>
        %dma_start3A_399 = tpu.memref_squeeze %dma_start3A_398 : memref<1x128xi32, #tpu.memory_space<vmem>> -> memref<128xi32, #tpu.memory_space<vmem>>
        %dma_start3A_400 = arith.constant 0 : i32
        %dma_start3A_401 = arith.constant 0 : i32
        %dma_start3A_402 = tpu.memref_slice %arg3[%dma_start3A_400, %dma_start3A_401] : memref<1000000x64xf32, #tpu.memory_space<hbm>> -> memref<1000000x64xf32, #tpu.memory_space<hbm>>
        tpu.enqueue_indirect_dma source(%dma_start3A_402 : memref<1000000x64xf32, #tpu.memory_space<hbm>>) target(%dma_start3A_396 : memref<128x64xf32, #tpu.memory_space<vmem>>) offsets(%dma_start3A_399 : memref<128xi32, #tpu.memory_space<vmem>>) semaphore(%arg14 : memref<!tpu.dma_semaphore, #tpu.memory_space<semaphore_mem>>)
      } else {
      }
      %dma_wait3A_349 = arith.constant 8 : i32
      %dma_wait3A_350 = arith.constant 0 : i32
      %dma_wait3A_351 = arith.constant 0 : i32
      %dma_wait3A_352 = tpu.memref_slice %arg6[%dma_wait3A_349, %dma_wait3A_350, %dma_wait3A_351] : memref<10x128x64xf32, #tpu.memory_space<vmem>> -> memref<1x128x64xf32, #tpu.memory_space<vmem>>
      %dma_wait3A_353 = tpu.memref_squeeze %dma_wait3A_352 : memref<1x128x64xf32, #tpu.memory_space<vmem>> -> memref<128x64xf32, #tpu.memory_space<vmem>>
      %dma_wait3A_354 = arith.constant 0 : i32
      %dma_wait3A_355 = tpu.memref_slice %arg5[%add3A_339, %dma_wait3A_354] : memref<200x128xi32, #tpu.memory_space<vmem>> -> memref<1x128xi32, #tpu.memory_space<vmem>>
      %dma_wait3A_356 = tpu.memref_squeeze %dma_wait3A_355 : memref<1x128xi32, #tpu.memory_space<vmem>> -> memref<128xi32, #tpu.memory_space<vmem>>
      %dma_wait3A_357 = arith.constant 0 : i32
      %dma_wait3A_358 = arith.constant 0 : i32
      %dma_wait3A_359 = tpu.memref_slice %arg3[%dma_wait3A_357, %dma_wait3A_358] : memref<1000000x64xf32, #tpu.memory_space<hbm>> -> memref<1000000x64xf32, #tpu.memory_space<hbm>>
      tpu.wait_indirect_dma semaphore(%arg15 : memref<!tpu.dma_semaphore, #tpu.memory_space<semaphore_mem>>) src(%dma_wait3A_359 : memref<1000000x64xf32, #tpu.memory_space<hbm>>) dst(%dma_wait3A_353 : memref<128x64xf32, #tpu.memory_space<vmem>>)
      %mul3A_360 = arith.constant 128 : i32
      %mul3A_361 = arith.muli %add3A_339, %mul3A_360 : i32
      %add3A_362 = arith.addi %mul3A_2, %mul3A_361 : i32
      %run_scoped3A_363 = arith.constant 8 : i32
      "tpu.region"() ({
        %run_scoped3A_392 = tpu.sem_alloc : memref<!tpu.dma_semaphore, #tpu.memory_space<semaphore_mem>>
        %dma_start3A_393 = arith.constant 0 : i32
        %dma_start3A_394 = arith.constant 0 : i32
        %dma_start3A_395 = tpu.memref_slice %arg6[%run_scoped3A_363, %dma_start3A_393, %dma_start3A_394] : memref<10x128x64xf32, #tpu.memory_space<vmem>> -> memref<1x128x64xf32, #tpu.memory_space<vmem>>
        %dma_start3A_396 = tpu.memref_squeeze %dma_start3A_395 : memref<1x128x64xf32, #tpu.memory_space<vmem>> -> memref<128x64xf32, #tpu.memory_space<vmem>>
        %dma_start3A_397 = arith.constant 0 : i32
        %dma_start3A_398 = tpu.memref_slice %arg4[%add3A_362, %dma_start3A_397] : memref<819200x128xf32, #tpu.memory_space<hbm>> -> memref<128x64xf32, #tpu.memory_space<hbm>>
        %dma_start3A_399 = arith.constant 0 : i32
        %dma_start3A_400 = tpu.memref_slice %arg4[%add3A_362, %dma_start3A_399] : memref<819200x128xf32, #tpu.memory_space<hbm>> -> memref<128x64xf32, #tpu.memory_space<hbm>>
        %dma_start3A_401 = arith.constant 0 : i32
        %dma_start3A_402 = arith.constant 0 : i32
        %dma_start3A_403 = tpu.memref_slice %arg6[%run_scoped3A_363, %dma_start3A_401, %dma_start3A_402] : memref<10x128x64xf32, #tpu.memory_space<vmem>> -> memref<1x128x64xf32, #tpu.memory_space<vmem>>
        %dma_start3A_404 = tpu.memref_squeeze %dma_start3A_403 : memref<1x128x64xf32, #tpu.memory_space<vmem>> -> memref<128x64xf32, #tpu.memory_space<vmem>>
        tpu.enqueue_dma source(%dma_start3A_404 : memref<128x64xf32, #tpu.memory_space<vmem>>) target(%dma_start3A_400 : memref<128x64xf32, #tpu.memory_space<hbm>>) target_semaphore(%run_scoped3A_392 : memref<!tpu.dma_semaphore, #tpu.memory_space<semaphore_mem>>)
        %dma_wait3A_405 = arith.constant 0 : i32
        %dma_wait3A_406 = arith.constant 0 : i32
        %dma_wait3A_407 = tpu.memref_slice %arg6[%run_scoped3A_363, %dma_wait3A_405, %dma_wait3A_406] : memref<10x128x64xf32, #tpu.memory_space<vmem>> -> memref<1x128x64xf32, #tpu.memory_space<vmem>>
        %dma_wait3A_408 = tpu.memref_squeeze %dma_wait3A_407 : memref<1x128x64xf32, #tpu.memory_space<vmem>> -> memref<128x64xf32, #tpu.memory_space<vmem>>
        %dma_wait3A_409 = arith.constant 0 : i32
        %dma_wait3A_410 = tpu.memref_slice %arg4[%add3A_362, %dma_wait3A_409] : memref<819200x128xf32, #tpu.memory_space<hbm>> -> memref<128x64xf32, #tpu.memory_space<hbm>>
        %dma_wait3A_411 = arith.constant 0 : i32
        %dma_wait3A_412 = tpu.memref_slice %arg4[%add3A_362, %dma_wait3A_411] : memref<819200x128xf32, #tpu.memory_space<hbm>> -> memref<128x64xf32, #tpu.memory_space<hbm>>
        %dma_wait3A_413 = arith.constant 0 : i32
        %dma_wait3A_414 = arith.constant 0 : i32
        %dma_wait3A_415 = tpu.memref_slice %arg6[%run_scoped3A_363, %dma_wait3A_413, %dma_wait3A_414] : memref<10x128x64xf32, #tpu.memory_space<vmem>> -> memref<1x128x64xf32, #tpu.memory_space<vmem>>
        %dma_wait3A_416 = tpu.memref_squeeze %dma_wait3A_415 : memref<1x128x64xf32, #tpu.memory_space<vmem>> -> memref<128x64xf32, #tpu.memory_space<vmem>>
        tpu.wait_dma2 semaphore(%run_scoped3A_392 : memref<!tpu.dma_semaphore, #tpu.memory_space<semaphore_mem>>) src(%dma_wait3A_416 : memref<128x64xf32, #tpu.memory_space<vmem>>) dst(%dma_wait3A_412 : memref<128x64xf32, #tpu.memory_space<hbm>>)
        tpu.yield
      }) : () -> ()
      %mul3A_364 = arith.constant 10 : i32
      %mul3A_365 = arith.muli %scan3A_117, %mul3A_364 : i32
      %add3A_366 = arith.constant 9 : i32
      %add3A_367 = arith.addi %mul3A_365, %add3A_366 : i32
      %add3A_368 = arith.constant 10 : i32
      %add3A_369 = arith.addi %add3A_367, %add3A_368 : i32
      %sub3A_370 = arith.constant 1 : i32
      %sub3A_371 = arith.subi %add3A_369, %sub3A_370 : i32
      %lt3A_372 = arith.constant 200 : i32
      %lt3A_373 = arith.cmpi slt, %sub3A_371, %lt3A_372 : i32
      %convert_element_type3A_374 = arith.extui %lt3A_373 : i1 to i32
      %cond3A_375 = arith.constant 0 : i32
      %cond3A_376 = arith.cmpi ne, %convert_element_type3A_374, %cond3A_375 : i32
      scf.if %cond3A_376 {
        %dma_start3A_392 = arith.constant 8 : i32
        %dma_start3A_393 = arith.constant 0 : i32
        %dma_start3A_394 = arith.constant 0 : i32
        %dma_start3A_395 = tpu.memref_slice %arg6[%dma_start3A_392, %dma_start3A_393, %dma_start3A_394] : memref<10x128x64xf32, #tpu.memory_space<vmem>> -> memref<1x128x64xf32, #tpu.memory_space<vmem>>
        %dma_start3A_396 = tpu.memref_squeeze %dma_start3A_395 : memref<1x128x64xf32, #tpu.memory_space<vmem>> -> memref<128x64xf32, #tpu.memory_space<vmem>>
        %dma_start3A_397 = arith.constant 0 : i32
        %dma_start3A_398 = tpu.memref_slice %arg5[%sub3A_371, %dma_start3A_397] : memref<200x128xi32, #tpu.memory_space<vmem>> -> memref<1x128xi32, #tpu.memory_space<vmem>>
        %dma_start3A_399 = tpu.memref_squeeze %dma_start3A_398 : memref<1x128xi32, #tpu.memory_space<vmem>> -> memref<128xi32, #tpu.memory_space<vmem>>
        %dma_start3A_400 = arith.constant 0 : i32
        %dma_start3A_401 = arith.constant 0 : i32
        %dma_start3A_402 = tpu.memref_slice %arg3[%dma_start3A_400, %dma_start3A_401] : memref<1000000x64xf32, #tpu.memory_space<hbm>> -> memref<1000000x64xf32, #tpu.memory_space<hbm>>
        tpu.enqueue_indirect_dma source(%dma_start3A_402 : memref<1000000x64xf32, #tpu.memory_space<hbm>>) target(%dma_start3A_396 : memref<128x64xf32, #tpu.memory_space<vmem>>) offsets(%dma_start3A_399 : memref<128xi32, #tpu.memory_space<vmem>>) semaphore(%arg15 : memref<!tpu.dma_semaphore, #tpu.memory_space<semaphore_mem>>)
      } else {
      }
      %dma_wait3A_377 = arith.constant 9 : i32
      %dma_wait3A_378 = arith.constant 0 : i32
      %dma_wait3A_379 = arith.constant 0 : i32
      %dma_wait3A_380 = tpu.memref_slice %arg6[%dma_wait3A_377, %dma_wait3A_378, %dma_wait3A_379] : memref<10x128x64xf32, #tpu.memory_space<vmem>> -> memref<1x128x64xf32, #tpu.memory_space<vmem>>
      %dma_wait3A_381 = tpu.memref_squeeze %dma_wait3A_380 : memref<1x128x64xf32, #tpu.memory_space<vmem>> -> memref<128x64xf32, #tpu.memory_space<vmem>>
      %dma_wait3A_382 = arith.constant 0 : i32
      %dma_wait3A_383 = tpu.memref_slice %arg5[%add3A_367, %dma_wait3A_382] : memref<200x128xi32, #tpu.memory_space<vmem>> -> memref<1x128xi32, #tpu.memory_space<vmem>>
      %dma_wait3A_384 = tpu.memref_squeeze %dma_wait3A_383 : memref<1x128xi32, #tpu.memory_space<vmem>> -> memref<128xi32, #tpu.memory_space<vmem>>
      %dma_wait3A_385 = arith.constant 0 : i32
      %dma_wait3A_386 = arith.constant 0 : i32
      %dma_wait3A_387 = tpu.memref_slice %arg3[%dma_wait3A_385, %dma_wait3A_386] : memref<1000000x64xf32, #tpu.memory_space<hbm>> -> memref<1000000x64xf32, #tpu.memory_space<hbm>>
      tpu.wait_indirect_dma semaphore(%arg16 : memref<!tpu.dma_semaphore, #tpu.memory_space<semaphore_mem>>) src(%dma_wait3A_387 : memref<1000000x64xf32, #tpu.memory_space<hbm>>) dst(%dma_wait3A_381 : memref<128x64xf32, #tpu.memory_space<vmem>>)
      %mul3A_388 = arith.constant 128 : i32
      %mul3A_389 = arith.muli %add3A_367, %mul3A_388 : i32
      %add3A_390 = arith.addi %mul3A_2, %mul3A_389 : i32
      %run_scoped3A_391 = arith.constant 9 : i32
      "tpu.region"() ({
        %run_scoped3A_392 = tpu.sem_alloc : memref<!tpu.dma_semaphore, #tpu.memory_space<semaphore_mem>>
        %dma_start3A_393 = arith.constant 0 : i32
        %dma_start3A_394 = arith.constant 0 : i32
        %dma_start3A_395 = tpu.memref_slice %arg6[%run_scoped3A_391, %dma_start3A_393, %dma_start3A_394] : memref<10x128x64xf32, #tpu.memory_space<vmem>> -> memref<1x128x64xf32, #tpu.memory_space<vmem>>
        %dma_start3A_396 = tpu.memref_squeeze %dma_start3A_395 : memref<1x128x64xf32, #tpu.memory_space<vmem>> -> memref<128x64xf32, #tpu.memory_space<vmem>>
        %dma_start3A_397 = arith.constant 0 : i32
        %dma_start3A_398 = tpu.memref_slice %arg4[%add3A_390, %dma_start3A_397] : memref<819200x128xf32, #tpu.memory_space<hbm>> -> memref<128x64xf32, #tpu.memory_space<hbm>>
        %dma_start3A_399 = arith.constant 0 : i32
        %dma_start3A_400 = tpu.memref_slice %arg4[%add3A_390, %dma_start3A_399] : memref<819200x128xf32, #tpu.memory_space<hbm>> -> memref<128x64xf32, #tpu.memory_space<hbm>>
        %dma_start3A_401 = arith.constant 0 : i32
        %dma_start3A_402 = arith.constant 0 : i32
        %dma_start3A_403 = tpu.memref_slice %arg6[%run_scoped3A_391, %dma_start3A_401, %dma_start3A_402] : memref<10x128x64xf32, #tpu.memory_space<vmem>> -> memref<1x128x64xf32, #tpu.memory_space<vmem>>
        %dma_start3A_404 = tpu.memref_squeeze %dma_start3A_403 : memref<1x128x64xf32, #tpu.memory_space<vmem>> -> memref<128x64xf32, #tpu.memory_space<vmem>>
        tpu.enqueue_dma source(%dma_start3A_404 : memref<128x64xf32, #tpu.memory_space<vmem>>) target(%dma_start3A_400 : memref<128x64xf32, #tpu.memory_space<hbm>>) target_semaphore(%run_scoped3A_392 : memref<!tpu.dma_semaphore, #tpu.memory_space<semaphore_mem>>)
        %dma_wait3A_405 = arith.constant 0 : i32
        %dma_wait3A_406 = arith.constant 0 : i32
        %dma_wait3A_407 = tpu.memref_slice %arg6[%run_scoped3A_391, %dma_wait3A_405, %dma_wait3A_406] : memref<10x128x64xf32, #tpu.memory_space<vmem>> -> memref<1x128x64xf32, #tpu.memory_space<vmem>>
        %dma_wait3A_408 = tpu.memref_squeeze %dma_wait3A_407 : memref<1x128x64xf32, #tpu.memory_space<vmem>> -> memref<128x64xf32, #tpu.memory_space<vmem>>
        %dma_wait3A_409 = arith.constant 0 : i32
        %dma_wait3A_410 = tpu.memref_slice %arg4[%add3A_390, %dma_wait3A_409] : memref<819200x128xf32, #tpu.memory_space<hbm>> -> memref<128x64xf32, #tpu.memory_space<hbm>>
        %dma_wait3A_411 = arith.constant 0 : i32
        %dma_wait3A_412 = tpu.memref_slice %arg4[%add3A_390, %dma_wait3A_411] : memref<819200x128xf32, #tpu.memory_space<hbm>> -> memref<128x64xf32, #tpu.memory_space<hbm>>
        %dma_wait3A_413 = arith.constant 0 : i32
        %dma_wait3A_414 = arith.constant 0 : i32
        %dma_wait3A_415 = tpu.memref_slice %arg6[%run_scoped3A_391, %dma_wait3A_413, %dma_wait3A_414] : memref<10x128x64xf32, #tpu.memory_space<vmem>> -> memref<1x128x64xf32, #tpu.memory_space<vmem>>
        %dma_wait3A_416 = tpu.memref_squeeze %dma_wait3A_415 : memref<1x128x64xf32, #tpu.memory_space<vmem>> -> memref<128x64xf32, #tpu.memory_space<vmem>>
        tpu.wait_dma2 semaphore(%run_scoped3A_392 : memref<!tpu.dma_semaphore, #tpu.memory_space<semaphore_mem>>) src(%dma_wait3A_416 : memref<128x64xf32, #tpu.memory_space<vmem>>) dst(%dma_wait3A_412 : memref<128x64xf32, #tpu.memory_space<hbm>>)
        tpu.yield
      }) : () -> ()
    }
    %scan3A_116 = arith.constant 20 : i32
    return
  }
}

</mosaic_0001>

<sc_bundles>
// kernel: _embed.3.cloned.1.call-start
scs
__scs_entry_jumppad:
0x0: {  	(pc) =	sbr.rel $0x88, $3  }
0x1: {  	(tag) =	ssettag $0x0;
	lr =	simm.s32 $0x1  }
0x2: {  	[smem:$0x3F9F] =	sst lr;
	_ =	strace $0xD0000000  }
0x3: {  	_ = 	snop  }
0x4: {  	_ = 	snop  }
0x5: {  	_ = 	snop  }
0x6: {  	_ = 	snop  }
0x7: {  	_ = 	snop  }
__scs_overlays_trampoline_lowered:
0x8: {  	[smem:$0x3FAE] =	sst s0  }
0x9: {  	[smem:$0x3FAF] =	sst s1  }
0xa: {  	[smem:$0x3FB0] =	sst s2  }
0xb: {  	[smem:$0x3FB1] =	sst s3  }
0xc: {  	[smem:$0x3FB2] =	sst s4  }
0xd: {  	[smem:$0x3FB3] =	sst s5  }
0xe: {  	[smem:$0x3FB4] =	sst s6  }
0xf: {  	[smem:$0x3FB5] =	sst s7  }
0x10: {  	[smem:$0x3FB6] =	sst s8  }
0x11: {  	[smem:$0x3FB7] =	sst s9;
	s0 =	simm.s32 @!p0 $0x0  }
0x12: {  	s1 =	sld [smem:$0x3F9D];
	s0 =	simm.s32 @p0 $0x1  }
0x13: {  	[smem:$0x3FB8] =	sst s0;
	s0 =	simm.s32 @!p1 $0x0  }
0x14: {  	s2 =	sld [smem:$0x3F9C];
	s0 =	simm.s32 @p1 $0x1  }
0x15: {  	[smem:$0x3FB9] =	sst s0;
	s0 =	simm.s32 @!p2 $0x0  }
0x16: {  	s3 =	sld [smem:$0x3FDB];
	s0 =	simm.s32 @p2 $0x1  }
0x17: {  	s4 =	simm.s32 $0x1BF5;
	[smem:$0x3FBB] =	sst s0  }
0x18: {  	s0 =	sld [smem:$0x3F9E];
	_ =	swait.ge [sflag:s4], $0x0  }
0x19: {  	s7 =	sld [smem:$0x3F9F]  }
0x1a: {  	s8 =	sadd.s32 $0xFFFFE003, lr  }
0x1b: {  	s9 =	sadd.s32 $0xFFFFFEF7, lr;
	s5 =	simm.s32 $0xFFFFFFFF;
	p2 =	slt.u32 s8, $0xFFFFF086  }
0x1c: {  	p1 =	slt.u32 s9, $0xF7A;
	s5 =	simm.s32 @!p2 $0x0  }
0x1d: {  	s5 =	simm.s32 @p1 $0x1;
	p0 =	seq.s32 s7, s2  }
0x1e: {  	s7 =	smul.u32 @!p0 $0xF7A, s2;
	p2 =	seq.s32 @!p0 s5, $0x0  }
0x1f: {  	s9 =	smul.u32 $0xF7A, s1;
	s8 =	simm.s32 @!p0 $0x1BF5;
	p2 =	por !p2, p0  }
0x20: {  	[sflag:s8] =	ssyncset.s32 @!p0 $0xFFFFF086;
	s6 =	sadd.s32 @!p0 s3, s7;
	s7 =	simm.s32 @!p0 $0x108  }
0x21: {  	s3 =	sadd.s32 s3, s9;
	s6 =	sadd.s32 @!p0 $0x88, s6;
	s7 =	simm.s32 @p2 $0x1082  }
0x22: {  	[simem:s7], [sflag:s8] =	dma.local @!p0 [hbm:s6], $0xF7A  }
0x23: {  	s9 =	sor.u32 $0xD0000000, s2;
	s6 =	simm.s32 $0x108;
	_ =	swait.ge @!p0 [sflag:s8], $0x0  }
0x24: {  	s3 =	sadd.s32 $0x88, s3;
	s6 =	simm.s32 @!p1 $0x1082;
	[sflag:s4] =	ssyncset.s32 $0xFFFFF086  }
0x25: {  	[simem:s6], [sflag:s4] =	dma.local [hbm:s3], $0xF7A  }
0x26: {  	[smem:$0x3F9F] =	sst s1;
	(tag) =	ssettag s2;
	_ =	strace s9  }
0x27: {  	s1 =	sld [smem:$0x3FAF]  }
0x28: {  	s2 =	sld [smem:$0x3FB0]  }
0x29: {  	s4 =	sld [smem:$0x3FB2]  }
0x2a: {  	p0 =	seq.s32 s5, $0x0;
	s5 =	sld [smem:$0x3FB3]  }
0x2b: {  	s6 =	sld [smem:$0x3FB4]  }
0x2c: {  	s7 =	sld [smem:$0x3FB5]  }
0x2d: {  	s3 =	simm.s32 $0x108;
	s8 =	sld [smem:$0x3FB6]  }
0x2e: {  	s3 =	simm.s32 @!p0 $0x1082;
	s9 =	sld [smem:$0x3FB7]  }
0x2f: {  	lr =	sadd.s32 s0, s3;
	s0 =	sld [smem:$0x3FAE]  }
0x30: {  	s3 =	sld [smem:$0x3FB1]  }
0x31: {  	[smem:$0x3FBA] =	sst s10  }
0x32: {  	s10 =	sld [smem:$0x3FB8];
	_ =	sdelay $0x3  }
0x33: {  	p0 =	seq.s32 s10, $0x1;
	s10 =	sld [smem:$0x3FBA];
	_ =	sdelay $0x3  }
0x34: {  	[smem:$0x3FBA] =	sst s10  }
0x35: {  	s10 =	sld [smem:$0x3FB9];
	_ =	sdelay $0x3  }
0x36: {  	p1 =	seq.s32 s10, $0x1;
	s10 =	sld [smem:$0x3FBA];
	_ =	sdelay $0x3  }
0x37: {  	[smem:$0x3FBA] =	sst s10  }
0x38: {  	s10 =	sld [smem:$0x3FBB]  }
0x39: {  	_ = 	snop;
	(pc) =	sbr.ind lr, $3  }
0x3a: {  	_ = 	snop  }
0x3b: {  	_ = 	snop  }
0x3c: {  	p2 =	seq.s32 s10, $0x1;
	s10 =	sld [smem:$0x3FBA]  }
0x3d: {  	_ =	shalt  }
0x3e: {  	_ =	shalt  }
0x3f: {  	_ =	shalt  }
0x40: {  	_ =	shalt  }
0x41: {  	_ =	shalt  }
0x42: {  	_ =	shalt  }
0x43: {  	_ =	shalt  }
0x44: {  	_ =	shalt  }
0x45: {  	_ =	shalt  }
0x46: {  	_ =	shalt  }
0x47: {  	_ =	shalt  }
0x48: {  	_ =	shalt  }
0x49: {  	_ =	shalt  }
0x4a: {  	_ =	shalt  }
0x4b: {  	_ =	shalt  }
0x4c: {  	_ =	shalt  }
0x4d: {  	_ =	shalt  }
0x4e: {  	_ =	shalt  }
0x4f: {  	_ =	shalt  }
0x50: {  	_ =	shalt  }
0x51: {  	_ =	shalt  }
0x52: {  	_ =	shalt  }
0x53: {  	_ =	shalt  }
0x54: {  	_ =	shalt  }
0x55: {  	_ =	shalt  }
0x56: {  	_ =	shalt  }
0x57: {  	_ =	shalt  }
0x58: {  	_ =	shalt  }
0x59: {  	_ =	shalt  }
0x5a: {  	_ =	shalt  }
0x5b: {  	_ =	shalt  }
0x5c: {  	_ =	shalt  }
0x5d: {  	_ =	shalt  }
0x5e: {  	_ =	shalt  }
0x5f: {  	_ =	shalt  }
0x60: {  	_ =	shalt  }
0x61: {  	_ =	shalt  }
0x62: {  	_ =	shalt  }
0x63: {  	_ =	shalt  }
0x64: {  	_ =	shalt  }
0x65: {  	_ =	shalt  }
0x66: {  	_ =	shalt  }
0x67: {  	_ =	shalt  }
0x68: {  	_ =	shalt  }
0x69: {  	_ =	shalt  }
0x6a: {  	_ =	shalt  }
0x6b: {  	_ =	shalt  }
0x6c: {  	_ =	shalt  }
0x6d: {  	_ =	shalt  }
0x6e: {  	_ =	shalt  }
0x6f: {  	_ =	shalt  }
0x70: {  	_ =	shalt  }
0x71: {  	_ =	shalt  }
0x72: {  	_ =	shalt  }
0x73: {  	_ =	shalt  }
0x74: {  	_ =	shalt  }
0x75: {  	_ =	shalt  }
0x76: {  	_ =	shalt  }
0x77: {  	_ =	shalt  }
0x78: {  	_ =	shalt  }
0x79: {  	_ =	shalt  }
0x7a: {  	_ =	shalt  }
0x7b: {  	_ =	shalt  }
0x7c: {  	_ =	shalt  }
0x7d: {  	_ =	shalt  }
0x7e: {  	_ =	shalt  }
0x7f: {  	_ =	shalt  }
0x80: {  	_ =	shalt  }
0x81: {  	_ =	shalt  }
0x82: {  	_ =	shalt  }
0x83: {  	_ =	shalt  }
0x84: {  	_ =	shalt  }
0x85: {  	_ =	shalt  }
0x86: {  	_ =	shalt  }
0x87: {  	_ =	shalt  }
.Lfunc_end0:
.L_simem_size_0:
called_computation_lowered:
.L_overlay_start_0:
0x88: {  	s2 =	sld [smem:$0x3FD9]  }
0x89: {  	s3 =	sld [smem:$0x3FFE];
	_ =	sdelay $0x1  }
0x8a: {  	s1 =	srdreg.scid  }
0x8b: {  	s0 =	sand.u32 $0x1, s1  }
0x8c: {  	s17 =	sshll.u32 s0, $0xA;
	s2 =	sadd.s32 s3, s2  }
0x8d: {  	s2 =	sadd.s32 s2, s17  }
0x8e: {  	[smem:$0x3FC6] =	sst s2  }
0x8f: {  	_ = 	snop  }
0x90: {  	s2 =	sld [smem:$0x3FC9]  }
0x91: {  	s18 =	sld [smem:$0x3FD0];
	(tm) =	ssettm $0x1  }
0x92: {  	s4 =	sld [smem:$0x3FFB];
	_ =	sdelay $0x3  }
0x93: {  	_ =	strace s4  }
0x94: {  	s4 =	sld [smem:$0x3FFC];
	_ =	sdelay $0x3  }
0x95: {  	_ =	strace s4  }
0x96: {  	s4 =	sld [smem:$0x3FFD];
	_ =	sdelay $0x3  }
0x97: {  	_ =	strace s4  }
0x98: {  	_ =	strace $0x8FFFFFFF  }
0x99: {  	s19 =	sld [smem:$0x3FDB];
	_ =	sdelay $0x1  }
0x9a: {  	s5 =	simm.s32 $_scs_section_size  }
0x9b: {  	s6 =	simm.s32 $_size__tile_overlayer_lowered;
	s7 =	simm.s32 $_tile_overlayer_lowered  }
0x9c: {  	s22 =	simm.s32 $0x1BFF;
	s21 =	sshll.u32 s7, $0x1;
	s4 =	sadd.s32 s5, s19  }
0x9d: {  	s8 =	simm.s32 $0x0;
	s20 =	sshll.u32 s6, $0x1;
	s6 =	sadd.s32 s21, s4  }
0x9e: {  	[timem:s8], [sflag:s22] =	dma.local [hbm:s6], s20  }
0x9f: {  	_ =	swait.ge [sflag:s22], s20  }
0xa0: {  	s5 =	ssub.s32 $0x0, s20;
	[sflag:s22] =	ssyncset.done $0x0  }
0xa1: {  	[sflag:s22] =	ssyncadd.s32 s5;
	_ =	sdelay $0x1  }
0xa2: {  	s23 =	simm.s32 $0x1B8B  }
0xa3: {  	_ =	swait.ge [sflag:s23], $0x1  }
0xa4: {  	[sflag:s23] =	ssyncset.done $0x0  }
0xa5: {  	s25 =	simm.s32 $0x1B8E;
	s24 =	sld [smem:$0x3FFE];
	[sflag:s23] =	ssyncadd.s32 $0xFFFFFFFF  }
0xa6: {  	s26 =	simm.s32 $execute0_lowered;
	[smem:$0x3FD2] =	sst s25  }
0xa7: {  	s6 =	sshll.u32 s26, $0x1;
	_ =	strace $0x80000046;
	[dreg:$0x1] =	wrdreg $0xFFFFFFFF  }
0xa8: {  	s28 =	simm.s32 $_size_execute0_lowered;
	s4 =	sadd.s32 s4, s6;
	[dreg:$0x0] =	wrdreg $0x0  }
0xa9: {  	s6 =	sshll.u32 s28, $0x1;
	[dreg:$0x2] =	wrdreg s4  }
0xaa: {  	[dreg:$0x3] =	wrdreg s6  }
0xab: {  	[dreg:$0x4] =	wrdreg $0xC0  }
0xac: {  	_ =	task [dreg:s8], $0x5FFFF  }
0xad: {  	[dreg:$0x1] =	wrdreg $0xFFFFFFFF  }
0xae: {  	[dreg:$0x0] =	wrdreg $0x60  }
0xaf: {  	[dreg:$0x2] =	wrdreg s2  }
0xb0: {  	[dreg:$0x3] =	wrdreg s24  }
0xb1: {  	[dreg:$0x4] =	wrdreg s18  }
0xb2: {  	[dreg:$0x5] =	wrdreg $0x9  }
0xb3: {  	_ =	task.clear_ibuf [dreg:s8], $0x6FFFF;
	_ =	strace $0x90000046  }
0xb4: {  	s29 =	simm.s32 $0x9;
	_ =	strace $0x80000048  }
0xb5: {  	_ =	swait.ge [sflag:s29], $0x1  }
0xb6: {  	[sflag:s29] =	ssyncadd.s32 $0xFFFFFFFF  }
0xb7: {  	_ =	strace $0x90000048  }
0xb8: {  	_ =	sfence  }
0xb9: {  	s30 =	sld [smem:$0x0];
	_ =	sdelay $0x2  }
0xba: {  	s31 =	sshll.u32 s1, $0xD;
	s1 =	sshrl.u32 s1, $0x2  }
0xbb: {  	s3 =	sand.u32 $0x4000, s31;
	s1 =	sadd.s32 s1, s30  }
0xbc: {  	s0 =	sor.u32 s3, s0;
	s1 =	sshll.u32 s1, $0x11  }
0xbd: {  	s0 =	sor.u32 s1, s0  }
0xbe: {  	s0 =	sadd.s32 $0x8F2B, s0  }
0xbf: {  	[sflag:s0] =	ssyncadd.remote.s32 $0x1  }
0xc0: {  	_ =	sfence.sel $0xFFFF  }
0xc1: {  	[dreg:$0x0] =	wrdreg $0xFFFFFFFF;
	(pc) =	sbr.abs _section_cstart, $3  }
0xc2: {  	[dreg:$0x1] =	wrdreg $0xFFFFFFFF  }
0xc3: {  	_ =	task.clear_ibuf [dreg:s8], $0x2FFFF;
	_ =	strace $0x9FFFFFFF  }
0xc4: {  	(tm) =	ssettm $0x7FFFFFFF  }
0xc5: {  	_ =	shalt  }
tec
execute0_lowered:
.L_overlay_start_1:
0x0: {  	(tag) =	ssettag $0x1  }
0x1: {  	s0 =	rddreg [dreg:$0x0]  }
0x2: {  	s1 =	rddreg [dreg:$0x1];
	s2 =	srdreg.scid  }
0x3: {  	s8 =	stileid.u32;
	s5 =	simm.s32 $0x0;
	s28 =	simm.s32 $0x40  }
0x4: {  	s29 =	simm.s32 $0x2;
	s30 =	simm.s32 $0x3;
	s3 =	smul.u32 $0xC800, s8  }
0x5: {  	s31 =	simm.s32 $0x4;
	s2 =	sand.u32 $0x1, s2;
	s7 =	smul.u32 $0xC8000, s8  }
0x6: {  	s11 =	simm.s32 $0x7;
	s13 =	simm.s32 $0x8;
	s4 =	smul.u32 $0x6400, s2  }
0x7: {  	[smem:$0x7FF] =	sst s5;
	s17 =	sshll.u32 s8, $0x1;
	s9 =	smul.u32 $0x320000, s2  }
0x8: {  	s15 =	ssub.s32 $0x2, s2;
	s5 =	sor.u32 s2, s17;
	s2 =	smul.u32 $0x64000, s2  }
0x9: {  	_ =	strace $0x80000047;
	s16 =	sshrl.u32 s15, $0x1;
	s5 =	smul.u32 $0xC80, s5  }
0xa: {  	s3 =	sadd.s32 s4, s3;
	s4 =	sadd.s32 $0xF42800, s1;
	s2 =	sadd.s32 s2, s7  }
0xb: {  	s1 =	ssub.s32 s15, s16;
	s0 =	sadd.s32 s0, s5;
	[dreg:$0xc] =	wrdreg s2  }
0xc: {  	s3 =	sshll.u32 s3, $0x4;
	s1 =	smax.u32 s1, $0x1;
	[dreg:$0xe] =	wrdreg s0  }
0xd: {  	s8 =	smul.u32 $0x640000, s8;
	s6 =	sadd.s32 $0x4000, s3;
	[dreg:$0xf] =	wrdreg s1  }
0xe: {  	s17 =	simm.s32 $0xA;
	s18 =	sor.u32 $0x3800, s3;
	[dreg:$0x4] =	wrdreg s6  }
0xf: {  	s24 =	sadd.s32 s9, s8;
	s19 =	sor.u32 $0x3000, s3;
	[dreg:$0x5] =	wrdreg s18  }
0x10: {  	s7 =	simm.s32 $0xB;
	s20 =	sor.u32 $0x2800, s3;
	[dreg:$0x6] =	wrdreg s19  }
0x11: {  	s8 =	simm.s32 $0x80;
	s21 =	sor.u32 $0x2000, s3;
	[dreg:$0x7] =	wrdreg s20  }
0x12: {  	s15 =	simm.s32 $0x9;
	s22 =	sor.u32 $0x1800, s3;
	[dreg:$0x8] =	wrdreg s21  }
0x13: {  	s25 =	sadd.s32 $0x24000, s24;
	s23 =	sor.u32 $0x1000, s3;
	[dreg:$0x9] =	wrdreg s22  }
0x14: {  	s24 =	simm.s32 $0x8400;
	s3 =	sor.u32 $0x800, s3;
	[dreg:$0xa] =	wrdreg s23  }
0x15: {  	s26 =	sshrl.u32 s25, $0x3;
	s25 =	simm.s32 $0x18400;
	[dreg:$0xb] =	wrdreg s3  }
0x16: {  	s1 =	simm.s32 $0x5;
	s0 =	simm.s32 $0x6;
	[dreg:$0xd] =	wrdreg s26  }
0x17: {  	s26 =	simm.s32 $0x1;
	s3 =	simm.s32 $0x0;
	s22 =	simm.s32 $0x6400  }
.LBB2_1:
0x18: {  	[dreg:$0x10] =	wrdreg s3  }
0x19: {  	s2 =	simm.s32 $0x0;
	s16 =	rddreg [dreg:$0xe]  }
0x1a: {  	[tilespmem:s2], [sflag:$0xB] =	stream.linear.gather [hbm4b:s16+s2], $0x6400, $0x38;
	[tilespmem:$0x1A400] =	vst v63  }
0x1b: {  	_ =	swait.ge [sflag:s7], $0x6400  }
0x1c: {  	[sflag:s7] =	ssyncset.done $0x0  }
0x1d: {  	s3 =	simm.s32 $0x6400;
	[sflag:s7] =	ssyncadd.s32 $0xFFFF9C00  }
0x1e: {  	[tilespmem:s3], [sflag:$0x1] =	stream.indirect.gather [hbm4b:s4+s8], $0x40, s2, s8, $0xb8;
	[tilespmem:$0x1A400] =	vst v63  }
0x1f: {  	s9 =	simm.s32 $0x8400  }
0x20: {  	[tilespmem:s9], [sflag:$0x2] =	stream.indirect.gather [hbm4b:s4+s8], $0x40, s8, s8, $0xb8;
	[tilespmem:$0x1A400] =	vst v63  }
0x21: {  	s18 =	simm.s32 $0x100;
	s10 =	simm.s32 $0xA400  }
0x22: {  	[tilespmem:s10], [sflag:$0x3] =	stream.indirect.gather [hbm4b:s4+s8], $0x40, s18, s8, $0xb8;
	[tilespmem:$0x1A400] =	vst v63  }
0x23: {  	s19 =	simm.s32 $0x180;
	s12 =	simm.s32 $0xC400  }
0x24: {  	[tilespmem:s12], [sflag:$0x4] =	stream.indirect.gather [hbm4b:s4+s8], $0x40, s19, s8, $0xb8;
	[tilespmem:$0x1A400] =	vst v63  }
0x25: {  	s20 =	simm.s32 $0x200;
	s14 =	simm.s32 $0xE400  }
0x26: {  	[tilespmem:s14], [sflag:$0x5] =	stream.indirect.gather [hbm4b:s4+s8], $0x40, s20, s8, $0xb8;
	[tilespmem:$0x1A400] =	vst v63  }
0x27: {  	s21 =	simm.s32 $0x280;
	s16 =	simm.s32 $0x10400  }
0x28: {  	[tilespmem:s16], [sflag:$0x6] =	stream.indirect.gather [hbm4b:s4+s8], $0x40, s21, s8, $0xb8;
	[tilespmem:$0x1A400] =	vst v63  }
0x29: {  	s23 =	simm.s32 $0x300;
	s18 =	simm.s32 $0x12400  }
0x2a: {  	[tilespmem:s18], [sflag:$0x7] =	stream.indirect.gather [hbm4b:s4+s8], $0x40, s23, s8, $0xb8;
	[tilespmem:$0x1A400] =	vst v63  }
0x2b: {  	s5 =	simm.s32 $0x380;
	s19 =	simm.s32 $0x14400  }
0x2c: {  	[tilespmem:s19], [sflag:$0x8] =	stream.indirect.gather [hbm4b:s4+s8], $0x40, s5, s8, $0xb8;
	[tilespmem:$0x1A400] =	vst v63  }
0x2d: {  	s6 =	simm.s32 $0x400;
	s20 =	simm.s32 $0x16400  }
0x2e: {  	[tilespmem:s20], [sflag:$0x9] =	stream.indirect.gather [hbm4b:s4+s8], $0x40, s6, s8, $0xb8;
	[tilespmem:$0x1A400] =	vst v63  }
0x2f: {  	s21 =	simm.s32 $0x480  }
0x30: {  	[tilespmem:s25], [sflag:$0xA] =	stream.indirect.gather [hbm4b:s4+s8], $0x40, s21, s8, $0xb8;
	[tilespmem:$0x1A400] =	vst v63  }
0x31: {  	_ =	swait.ge [sflag:s26], $0x2000  }
0x32: {  	[sflag:s26] =	ssyncset.done $0x0  }
0x33: {  	s23 =	rddreg [dreg:$0xc];
	[sflag:s26] =	ssyncadd.s32 $0xFFFFE000  }
0x34: {  	s6 =	rddreg [dreg:$0x2]  }
0x35: {  	s2 =	sadd.s32 s6, s23  }
0x36: {  	[hbm4b:s2+s28] =	stream.strided.scatter [tilespmem:s3], [sflag:$0xB], $0x2000, s8, s28, $0x38;
	[tilespmem:$0x1A400] =	vst v63  }
0x37: {  	p0 =	por $0x0, $0x0;
	_ =	swait.ge [sflag:s7], $0x2000  }
0x38: {  	s5 =	simm.s32 @!p0 $0x500;
	[sflag:s7] =	ssyncset.done $0x0  }
0x39: {  	s3 =	simm.s32 @!p0 $0x6400;
	s2 =	simm.s32 @!p0 $0x80;
	[sflag:s7] =	ssyncadd.s32 $0xFFFFE000  }
0x3a: {  	[tilespmem:s3], [sflag:$0x1] =	stream.indirect.gather @!p0 [hbm4b:s4+s2], $0x40, s5, s2, $0xb8;
	[tilespmem:$0x1A400] =	vst v63  }
0x3b: {  	_ =	swait.ge [sflag:s29], $0x2000  }
0x3c: {  	s5 =	rddreg [dreg:$0xb];
	[sflag:s29] =	ssyncset.done $0x0  }
0x3d: {  	[sflag:s29] =	ssyncadd.s32 $0xFFFFE000;
	s3 =	sadd.s32 s6, s5  }
0x3e: {  	[hbm4b:s3+s28] =	stream.strided.scatter [tilespmem:s9], [sflag:$0xB], $0x2000, s8, s28, $0x38;
	[tilespmem:$0x1A400] =	vst v63  }
0x3f: {  	_ =	swait.ge [sflag:s7], $0x2000  }
0x40: {  	[sflag:s7] =	ssyncset.done $0x0  }
0x41: {  	s5 =	simm.s32 @!p0 $0x8400;
	s3 =	simm.s32 @!p0 $0x580;
	[sflag:s7] =	ssyncadd.s32 $0xFFFFE000  }
0x42: {  	[tilespmem:s5], [sflag:$0x2] =	stream.indirect.gather @!p0 [hbm4b:s4+s2], $0x40, s3, s2, $0xb8;
	[tilespmem:$0x1A400] =	vst v63  }
0x43: {  	_ =	swait.ge [sflag:s30], $0x2000  }
0x44: {  	s9 =	rddreg [dreg:$0xa];
	[sflag:s30] =	ssyncset.done $0x0  }
0x45: {  	[sflag:s30] =	ssyncadd.s32 $0xFFFFE000;
	s3 =	sadd.s32 s6, s9  }
0x46: {  	[hbm4b:s3+s28] =	stream.strided.scatter [tilespmem:s10], [sflag:$0xB], $0x2000, s8, s28, $0x38;
	[tilespmem:$0x1A400] =	vst v63  }
0x47: {  	_ =	swait.ge [sflag:s7], $0x2000  }
0x48: {  	[sflag:s7] =	ssyncset.done $0x0  }
0x49: {  	s5 =	simm.s32 @!p0 $0xA400;
	s3 =	simm.s32 @!p0 $0x600;
	[sflag:s7] =	ssyncadd.s32 $0xFFFFE000  }
0x4a: {  	[tilespmem:s5], [sflag:$0x3] =	stream.indirect.gather @!p0 [hbm4b:s4+s2], $0x40, s3, s2, $0xb8;
	[tilespmem:$0x1A400] =	vst v63  }
0x4b: {  	_ =	swait.ge [sflag:s31], $0x2000  }
0x4c: {  	s10 =	rddreg [dreg:$0x9];
	[sflag:s31] =	ssyncset.done $0x0  }
0x4d: {  	[sflag:s31] =	ssyncadd.s32 $0xFFFFE000;
	s3 =	sadd.s32 s6, s10  }
0x4e: {  	[hbm4b:s3+s28] =	stream.strided.scatter [tilespmem:s12], [sflag:$0xB], $0x2000, s8, s28, $0x38;
	[tilespmem:$0x1A400] =	vst v63  }
0x4f: {  	_ =	swait.ge [sflag:s7], $0x2000  }
0x50: {  	[sflag:s7] =	ssyncset.done $0x0  }
0x51: {  	s5 =	simm.s32 @!p0 $0xC400;
	s3 =	simm.s32 @!p0 $0x680;
	[sflag:s7] =	ssyncadd.s32 $0xFFFFE000  }
0x52: {  	[tilespmem:s5], [sflag:$0x4] =	stream.indirect.gather @!p0 [hbm4b:s4+s2], $0x40, s3, s2, $0xb8;
	[tilespmem:$0x1A400] =	vst v63  }
0x53: {  	_ =	swait.ge [sflag:s1], $0x2000  }
0x54: {  	s12 =	rddreg [dreg:$0x8];
	[sflag:s1] =	ssyncset.done $0x0  }
0x55: {  	[sflag:s1] =	ssyncadd.s32 $0xFFFFE000;
	s3 =	sadd.s32 s6, s12  }
0x56: {  	[hbm4b:s3+s28] =	stream.strided.scatter [tilespmem:s14], [sflag:$0xB], $0x2000, s8, s28, $0x38;
	[tilespmem:$0x1A400] =	vst v63  }
0x57: {  	_ =	swait.ge [sflag:s7], $0x2000  }
0x58: {  	[sflag:s7] =	ssyncset.done $0x0  }
0x59: {  	s5 =	simm.s32 @!p0 $0xE400;
	s3 =	simm.s32 @!p0 $0x700;
	[sflag:s7] =	ssyncadd.s32 $0xFFFFE000  }
0x5a: {  	[tilespmem:s5], [sflag:$0x5] =	stream.indirect.gather @!p0 [hbm4b:s4+s2], $0x40, s3, s2, $0xb8;
	[tilespmem:$0x1A400] =	vst v63  }
0x5b: {  	_ =	swait.ge [sflag:s0], $0x2000  }
0x5c: {  	s14 =	rddreg [dreg:$0x7];
	[sflag:s0] =	ssyncset.done $0x0  }
0x5d: {  	[sflag:s0] =	ssyncadd.s32 $0xFFFFE000;
	s3 =	sadd.s32 s6, s14  }
0x5e: {  	[hbm4b:s3+s28] =	stream.strided.scatter [tilespmem:s16], [sflag:$0xB], $0x2000, s8, s28, $0x38;
	[tilespmem:$0x1A400] =	vst v63  }
0x5f: {  	_ =	swait.ge [sflag:s7], $0x2000  }
0x60: {  	[sflag:s7] =	ssyncset.done $0x0  }
0x61: {  	s5 =	simm.s32 @!p0 $0x10400;
	s3 =	simm.s32 @!p0 $0x780;
	[sflag:s7] =	ssyncadd.s32 $0xFFFFE000  }
0x62: {  	[tilespmem:s5], [sflag:$0x6] =	stream.indirect.gather @!p0 [hbm4b:s4+s2], $0x40, s3, s2, $0xb8;
	[tilespmem:$0x1A400] =	vst v63  }
0x63: {  	_ =	swait.ge [sflag:s11], $0x2000  }
0x64: {  	s16 =	rddreg [dreg:$0x6];
	[sflag:s11] =	ssyncset.done $0x0  }
0x65: {  	[sflag:s11] =	ssyncadd.s32 $0xFFFFE000;
	s3 =	sadd.s32 s6, s16  }
0x66: {  	[hbm4b:s3+s28] =	stream.strided.scatter [tilespmem:s18], [sflag:$0xB], $0x2000, s8, s28, $0x38;
	[tilespmem:$0x1A400] =	vst v63  }
0x67: {  	_ =	swait.ge [sflag:s7], $0x2000  }
0x68: {  	[sflag:s7] =	ssyncset.done $0x0  }
0x69: {  	s5 =	simm.s32 @!p0 $0x12400;
	s3 =	simm.s32 @!p0 $0x800;
	[sflag:s7] =	ssyncadd.s32 $0xFFFFE000  }
0x6a: {  	[tilespmem:s5], [sflag:$0x7] =	stream.indirect.gather @!p0 [hbm4b:s4+s2], $0x40, s3, s2, $0xb8;
	[tilespmem:$0x1A400] =	vst v63  }
0x6b: {  	_ =	swait.ge [sflag:s13], $0x2000  }
0x6c: {  	s18 =	rddreg [dreg:$0x5];
	[sflag:s13] =	ssyncset.done $0x0  }
0x6d: {  	[sflag:s13] =	ssyncadd.s32 $0xFFFFE000;
	s3 =	sadd.s32 s6, s18  }
0x6e: {  	[hbm4b:s3+s28] =	stream.strided.scatter [tilespmem:s19], [sflag:$0xB], $0x2000, s8, s28, $0x38;
	[tilespmem:$0x1A400] =	vst v63  }
0x6f: {  	_ =	swait.ge [sflag:s7], $0x2000  }
0x70: {  	[sflag:s7] =	ssyncset.done $0x0  }
0x71: {  	s5 =	simm.s32 @!p0 $0x14400;
	s3 =	simm.s32 @!p0 $0x880;
	[sflag:s7] =	ssyncadd.s32 $0xFFFFE000  }
0x72: {  	[tilespmem:s5], [sflag:$0x8] =	stream.indirect.gather @!p0 [hbm4b:s4+s2], $0x40, s3, s2, $0xb8;
	[tilespmem:$0x1A400] =	vst v63  }
0x73: {  	_ =	swait.ge [sflag:s15], $0x2000  }
0x74: {  	s21 =	rddreg [dreg:$0x4];
	[sflag:s15] =	ssyncset.done $0x0  }
0x75: {  	[sflag:s15] =	ssyncadd.s32 $0xFFFFE000;
	s3 =	sadd.s32 s6, s21  }
0x76: {  	[hbm4b:s3+s28] =	stream.strided.scatter [tilespmem:s20], [sflag:$0xB], $0x2000, s8, s28, $0x38;
	[tilespmem:$0x1A400] =	vst v63  }
0x77: {  	_ =	swait.ge [sflag:s7], $0x2000  }
0x78: {  	[sflag:s7] =	ssyncset.done $0x0  }
0x79: {  	s5 =	simm.s32 @!p0 $0x16400;
	s3 =	simm.s32 @!p0 $0x900;
	[sflag:s7] =	ssyncadd.s32 $0xFFFFE000  }
0x7a: {  	[tilespmem:s5], [sflag:$0x9] =	stream.indirect.gather @!p0 [hbm4b:s4+s2], $0x40, s3, s2, $0xb8;
	[tilespmem:$0x1A400] =	vst v63  }
0x7b: {  	_ =	swait.ge [sflag:s17], $0x2000  }
0x7c: {  	s23 =	rddreg [dreg:$0xd];
	[sflag:s17] =	ssyncset.done $0x0  }
0x7d: {  	[sflag:s17] =	ssyncadd.s32 $0xFFFFE000;
	s2 =	sadd.s32 s6, s23  }
0x7e: {  	[hbm4b:s2+s28] =	stream.strided.scatter [tilespmem:s25], [sflag:$0xB], $0x2000, s8, s28, $0x38;
	[tilespmem:$0x1A400] =	vst v63  }
0x7f: {  	s21 =	sadd.s32 $0x5000, s6;
	s3 =	simm.s32 $0x1400;
	_ =	swait.ge [sflag:s7], $0x2000  }
0x80: {  	s23 =	simm.s32 $0x2800;
	s2 =	simm.s32 $0x500;
	[sflag:s7] =	ssyncset.done $0x0  }
.LBB2_2:
0x81: {  	s2 =	sadd.s32 $0x480, s2;
	[sflag:s7] =	ssyncadd.s32 $0xFFFFE000  }
0x82: {  	[tilespmem:s25], [sflag:$0xA] =	stream.indirect.gather [hbm4b:s4+s8], $0x40, s2, s8, $0xb8;
	[tilespmem:$0x1A400] =	vst v63  }
0x83: {  	_ =	swait.ge [sflag:s26], $0x2000  }
0x84: {  	s19 =	rddreg [dreg:$0xc];
	[sflag:s26] =	ssyncset.done $0x0  }
0x85: {  	[sflag:s26] =	ssyncadd.s32 $0xFFFFE000;
	s2 =	sadd.s32 s21, s19  }
0x86: {  	[hbm4b:s2+s28] =	stream.strided.scatter [tilespmem:s22], [sflag:$0xB], $0x2000, s8, s28, $0x38;
	[tilespmem:$0x1A400] =	vst v63  }
0x87: {  	s14 =	smov.u32 s23;
	p1 =	seq.s32 s3, $0x17C00;
	_ =	swait.ge [sflag:s7], $0x2000  }
0x88: {  	s3 =	sshra.s32 @!p1 s3, $0x2;
	s5 =	simm.s32 @!p1 $0x80;
	[sflag:s7] =	ssyncset.done $0x0  }
0x89: {  	s6 =	sadd.s32 @!p1 $0x500, s3;
	s2 =	simm.s32 @!p1 $0x6400;
	[sflag:s7] =	ssyncadd.s32 $0xFFFFE000  }
0x8a: {  	[tilespmem:s2], [sflag:$0x1] =	stream.indirect.gather @!p1 [hbm4b:s4+s5], $0x40, s6, s5, $0xb8;
	[tilespmem:$0x1A400] =	vst v63  }
0x8b: {  	s16 =	sadd.s32 @!p1 $0x580, s3;
	s18 =	sadd.s32 @!p1 $0x600, s3;
	_ =	swait.ge [sflag:s29], $0x2000  }
0x8c: {  	s12 =	sadd.s32 @!p1 $0x680, s3;
	s20 =	rddreg [dreg:$0xb];
	[sflag:s29] =	ssyncset.done $0x0  }
0x8d: {  	s10 =	sadd.s32 @!p1 $0x700, s3;
	[sflag:s29] =	ssyncadd.s32 $0xFFFFE000;
	s20 =	sadd.s32 s21, s20  }
0x8e: {  	[hbm4b:s20+s28] =	stream.strided.scatter [tilespmem:s24], [sflag:$0xB], $0x2000, s8, s28, $0x38;
	[tilespmem:$0x1A400] =	vst v63  }
0x8f: {  	s9 =	sadd.s32 @!p1 $0x780, s3;
	s19 =	sadd.s32 @!p1 $0x800, s3;
	_ =	swait.ge [sflag:s7], $0x2000  }
0x90: {  	s2 =	sadd.s32 @!p1 $0x880, s3;
	s6 =	sadd.s32 @!p1 $0x900, s3;
	[sflag:s7] =	ssyncset.done $0x0  }
0x91: {  	s3 =	smov.u32 s14;
	s14 =	simm.s32 @!p1 $0x8400;
	[sflag:s7] =	ssyncadd.s32 $0xFFFFE000  }
0x92: {  	[tilespmem:s14], [sflag:$0x2] =	stream.indirect.gather @!p1 [hbm4b:s4+s5], $0x40, s16, s5, $0xb8;
	[tilespmem:$0x1A400] =	vst v63  }
0x93: {  	_ =	swait.ge [sflag:s30], $0x2000  }
0x94: {  	s16 =	rddreg [dreg:$0xa];
	[sflag:s30] =	ssyncset.done $0x0  }
0x95: {  	s20 =	simm.s32 $0xA400;
	[sflag:s30] =	ssyncadd.s32 $0xFFFFE000;
	s14 =	sadd.s32 s21, s16  }
0x96: {  	[hbm4b:s14+s28] =	stream.strided.scatter [tilespmem:s20], [sflag:$0xB], $0x2000, s8, s28, $0x38;
	[tilespmem:$0x1A400] =	vst v63  }
0x97: {  	_ =	swait.ge [sflag:s7], $0x2000  }
0x98: {  	[sflag:s7] =	ssyncset.done $0x0  }
0x99: {  	s14 =	simm.s32 @!p1 $0xA400;
	[sflag:s7] =	ssyncadd.s32 $0xFFFFE000  }
0x9a: {  	[tilespmem:s14], [sflag:$0x3] =	stream.indirect.gather @!p1 [hbm4b:s4+s5], $0x40, s18, s5, $0xb8;
	[tilespmem:$0x1A400] =	vst v63  }
0x9b: {  	_ =	swait.ge [sflag:s31], $0x2000  }
0x9c: {  	s18 =	rddreg [dreg:$0x9];
	[sflag:s31] =	ssyncset.done $0x0  }
0x9d: {  	s20 =	simm.s32 $0xC400;
	[sflag:s31] =	ssyncadd.s32 $0xFFFFE000;
	s14 =	sadd.s32 s21, s18  }
0x9e: {  	[hbm4b:s14+s28] =	stream.strided.scatter [tilespmem:s20], [sflag:$0xB], $0x2000, s8, s28, $0x38;
	[tilespmem:$0x1A400] =	vst v63  }
0x9f: {  	_ =	swait.ge [sflag:s7], $0x2000  }
0xa0: {  	[sflag:s7] =	ssyncset.done $0x0  }
0xa1: {  	s14 =	simm.s32 @!p1 $0xC400;
	[sflag:s7] =	ssyncadd.s32 $0xFFFFE000  }
0xa2: {  	[tilespmem:s14], [sflag:$0x4] =	stream.indirect.gather @!p1 [hbm4b:s4+s5], $0x40, s12, s5, $0xb8;
	[tilespmem:$0x1A400] =	vst v63  }
0xa3: {  	_ =	swait.ge [sflag:s1], $0x2000  }
0xa4: {  	s14 =	rddreg [dreg:$0x8];
	[sflag:s1] =	ssyncset.done $0x0  }
0xa5: {  	s16 =	simm.s32 $0xE400;
	[sflag:s1] =	ssyncadd.s32 $0xFFFFE000;
	s12 =	sadd.s32 s21, s14  }
0xa6: {  	[hbm4b:s12+s28] =	stream.strided.scatter [tilespmem:s16], [sflag:$0xB], $0x2000, s8, s28, $0x38;
	[tilespmem:$0x1A400] =	vst v63  }
0xa7: {  	_ =	swait.ge [sflag:s7], $0x2000  }
0xa8: {  	[sflag:s7] =	ssyncset.done $0x0  }
0xa9: {  	s12 =	simm.s32 @!p1 $0xE400;
	[sflag:s7] =	ssyncadd.s32 $0xFFFFE000  }
0xaa: {  	[tilespmem:s12], [sflag:$0x5] =	stream.indirect.gather @!p1 [hbm4b:s4+s5], $0x40, s10, s5, $0xb8;
	[tilespmem:$0x1A400] =	vst v63  }
0xab: {  	_ =	swait.ge [sflag:s0], $0x2000  }
0xac: {  	s18 =	rddreg [dreg:$0x7];
	[sflag:s0] =	ssyncset.done $0x0  }
0xad: {  	s20 =	simm.s32 $0x10400;
	[sflag:s0] =	ssyncadd.s32 $0xFFFFE000;
	s10 =	sadd.s32 s21, s18  }
0xae: {  	[hbm4b:s10+s28] =	stream.strided.scatter [tilespmem:s20], [sflag:$0xB], $0x2000, s8, s28, $0x38;
	[tilespmem:$0x1A400] =	vst v63  }
0xaf: {  	_ =	swait.ge [sflag:s7], $0x2000  }
0xb0: {  	[sflag:s7] =	ssyncset.done $0x0  }
0xb1: {  	s10 =	simm.s32 @!p1 $0x10400;
	[sflag:s7] =	ssyncadd.s32 $0xFFFFE000  }
0xb2: {  	[tilespmem:s10], [sflag:$0x6] =	stream.indirect.gather @!p1 [hbm4b:s4+s5], $0x40, s9, s5, $0xb8;
	[tilespmem:$0x1A400] =	vst v63  }
0xb3: {  	_ =	swait.ge [sflag:s11], $0x2000  }
0xb4: {  	s10 =	rddreg [dreg:$0x6];
	[sflag:s11] =	ssyncset.done $0x0  }
0xb5: {  	s12 =	simm.s32 $0x12400;
	[sflag:s11] =	ssyncadd.s32 $0xFFFFE000;
	s9 =	sadd.s32 s21, s10  }
0xb6: {  	[hbm4b:s9+s28] =	stream.strided.scatter [tilespmem:s12], [sflag:$0xB], $0x2000, s8, s28, $0x38;
	[tilespmem:$0x1A400] =	vst v63  }
0xb7: {  	_ =	swait.ge [sflag:s7], $0x2000  }
0xb8: {  	[sflag:s7] =	ssyncset.done $0x0  }
0xb9: {  	s9 =	simm.s32 @!p1 $0x12400;
	[sflag:s7] =	ssyncadd.s32 $0xFFFFE000  }
0xba: {  	[tilespmem:s9], [sflag:$0x7] =	stream.indirect.gather @!p1 [hbm4b:s4+s5], $0x40, s19, s5, $0xb8;
	[tilespmem:$0x1A400] =	vst v63  }
0xbb: {  	_ =	swait.ge [sflag:s13], $0x2000  }
0xbc: {  	s14 =	rddreg [dreg:$0x5];
	[sflag:s13] =	ssyncset.done $0x0  }
0xbd: {  	s16 =	simm.s32 $0x14400;
	[sflag:s13] =	ssyncadd.s32 $0xFFFFE000;
	s9 =	sadd.s32 s21, s14  }
0xbe: {  	[hbm4b:s9+s28] =	stream.strided.scatter [tilespmem:s16], [sflag:$0xB], $0x2000, s8, s28, $0x38;
	[tilespmem:$0x1A400] =	vst v63  }
0xbf: {  	_ =	swait.ge [sflag:s7], $0x2000  }
0xc0: {  	[sflag:s7] =	ssyncset.done $0x0  }
0xc1: {  	s9 =	simm.s32 @!p1 $0x14400;
	[sflag:s7] =	ssyncadd.s32 $0xFFFFE000  }
0xc2: {  	[tilespmem:s9], [sflag:$0x8] =	stream.indirect.gather @!p1 [hbm4b:s4+s5], $0x40, s2, s5, $0xb8;
	[tilespmem:$0x1A400] =	vst v63  }
0xc3: {  	_ =	swait.ge [sflag:s15], $0x2000  }
0xc4: {  	s18 =	rddreg [dreg:$0x4];
	[sflag:s15] =	ssyncset.done $0x0  }
0xc5: {  	s19 =	simm.s32 $0x16400;
	[sflag:s15] =	ssyncadd.s32 $0xFFFFE000;
	s2 =	sadd.s32 s21, s18  }
0xc6: {  	[hbm4b:s2+s28] =	stream.strided.scatter [tilespmem:s19], [sflag:$0xB], $0x2000, s8, s28, $0x38;
	[tilespmem:$0x1A400] =	vst v63  }
0xc7: {  	_ =	swait.ge [sflag:s7], $0x2000  }
0xc8: {  	[sflag:s7] =	ssyncset.done $0x0  }
0xc9: {  	s23 =	sadd.s32 $0x1400, s23;
	s2 =	simm.s32 @!p1 $0x16400;
	[sflag:s7] =	ssyncadd.s32 $0xFFFFE000  }
0xca: {  	[tilespmem:s2], [sflag:$0x9] =	stream.indirect.gather @!p1 [hbm4b:s4+s5], $0x40, s6, s5, $0xb8;
	[tilespmem:$0x1A400] =	vst v63  }
0xcb: {  	p0 =	sne.s32 s23, $0x19000;
	_ =	swait.ge [sflag:s17], $0x2000  }
.Ltmp0:
0xcc: {  	s20 =	rddreg [dreg:$0xd];
	[sflag:s17] =	ssyncset.done $0x0;
	(pc) =	sbr.rel @p0 .LBB2_2-.Ltmp0, $4  }
0xcd: {  	[sflag:s17] =	ssyncadd.s32 $0xFFFFE000;
	s2 =	sadd.s32 s21, s20  }
0xce: {  	[hbm4b:s2+s28] =	stream.strided.scatter [tilespmem:s25], [sflag:$0xB], $0x2000, s8, s28, $0x38;
	[tilespmem:$0x1A400] =	vst v63  }
0xcf: {  	_ =	swait.ge [sflag:s7], $0x2000  }
0xd0: {  	s21 =	sadd.s32 $0x5000, s21;
	s2 =	sshra.s32 s3, $0x2;
	[sflag:s7] =	ssyncset.done $0x0  }
0xd1: {  	s2 =	sadd.s32 $0x480, s2;
	[sflag:s7] =	ssyncadd.s32 $0xFFFFE000  }
0xd2: {  	[tilespmem:s25], [sflag:$0xA] =	stream.indirect.gather [hbm4b:s4+s8], $0x40, s2, s8, $0xb8;
	[tilespmem:$0x1A400] =	vst v63  }
0xd3: {  	_ =	swait.ge [sflag:s26], $0x2000  }
0xd4: {  	s10 =	rddreg [dreg:$0xc];
	[sflag:s26] =	ssyncset.done $0x0  }
0xd5: {  	[sflag:s26] =	ssyncadd.s32 $0xFFFFE000;
	s2 =	sadd.s32 s21, s10  }
0xd6: {  	[hbm4b:s2+s28] =	stream.strided.scatter [tilespmem:s22], [sflag:$0xB], $0x2000, s8, s28, $0x38;
	[tilespmem:$0x1A400] =	vst v63  }
0xd7: {  	p0 =	seq.s32 s3, $0x17C00;
	_ =	swait.ge [sflag:s7], $0x2000  }
0xd8: {  	s5 =	simm.s32 @!p0 $0x6400;
	s2 =	sshra.s32 @!p0 s3, $0x2;
	[sflag:s7] =	ssyncset.done $0x0  }
0xd9: {  	s3 =	simm.s32 @!p0 $0x80;
	s6 =	sadd.s32 @!p0 $0x500, s2;
	[sflag:s7] =	ssyncadd.s32 $0xFFFFE000  }
0xda: {  	[tilespmem:s5], [sflag:$0x1] =	stream.indirect.gather @!p0 [hbm4b:s4+s3], $0x40, s6, s3, $0xb8;
	[tilespmem:$0x1A400] =	vst v63  }
0xdb: {  	_ =	swait.ge [sflag:s29], $0x2000  }
0xdc: {  	s12 =	rddreg [dreg:$0xb];
	[sflag:s29] =	ssyncset.done $0x0  }
0xdd: {  	[sflag:s29] =	ssyncadd.s32 $0xFFFFE000;
	s5 =	sadd.s32 s21, s12  }
0xde: {  	[hbm4b:s5+s28] =	stream.strided.scatter [tilespmem:s24], [sflag:$0xB], $0x2000, s8, s28, $0x38;
	[tilespmem:$0x1A400] =	vst v63  }
0xdf: {  	_ =	swait.ge [sflag:s7], $0x2000  }
0xe0: {  	[sflag:s7] =	ssyncset.done $0x0  }
0xe1: {  	s6 =	simm.s32 @!p0 $0x8400;
	s5 =	sadd.s32 @!p0 $0x580, s2;
	[sflag:s7] =	ssyncadd.s32 $0xFFFFE000  }
0xe2: {  	[tilespmem:s6], [sflag:$0x2] =	stream.indirect.gather @!p0 [hbm4b:s4+s3], $0x40, s5, s3, $0xb8;
	[tilespmem:$0x1A400] =	vst v63  }
0xe3: {  	_ =	swait.ge [sflag:s30], $0x2000  }
0xe4: {  	s14 =	rddreg [dreg:$0xa];
	[sflag:s30] =	ssyncset.done $0x0  }
0xe5: {  	s16 =	simm.s32 $0xA400;
	[sflag:s30] =	ssyncadd.s32 $0xFFFFE000;
	s5 =	sadd.s32 s21, s14  }
0xe6: {  	[hbm4b:s5+s28] =	stream.strided.scatter [tilespmem:s16], [sflag:$0xB], $0x2000, s8, s28, $0x38;
	[tilespmem:$0x1A400] =	vst v63  }
0xe7: {  	_ =	swait.ge [sflag:s7], $0x2000  }
0xe8: {  	[sflag:s7] =	ssyncset.done $0x0  }
0xe9: {  	s6 =	simm.s32 @!p0 $0xA400;
	s5 =	sadd.s32 @!p0 $0x600, s2;
	[sflag:s7] =	ssyncadd.s32 $0xFFFFE000  }
0xea: {  	[tilespmem:s6], [sflag:$0x3] =	stream.indirect.gather @!p0 [hbm4b:s4+s3], $0x40, s5, s3, $0xb8;
	[tilespmem:$0x1A400] =	vst v63  }
0xeb: {  	_ =	swait.ge [sflag:s31], $0x2000  }
0xec: {  	s18 =	rddreg [dreg:$0x9];
	[sflag:s31] =	ssyncset.done $0x0  }
0xed: {  	s19 =	simm.s32 $0xC400;
	[sflag:s31] =	ssyncadd.s32 $0xFFFFE000;
	s5 =	sadd.s32 s21, s18  }
0xee: {  	[hbm4b:s5+s28] =	stream.strided.scatter [tilespmem:s19], [sflag:$0xB], $0x2000, s8, s28, $0x38;
	[tilespmem:$0x1A400] =	vst v63  }
0xef: {  	_ =	swait.ge [sflag:s7], $0x2000  }
0xf0: {  	[sflag:s7] =	ssyncset.done $0x0  }
0xf1: {  	s6 =	simm.s32 @!p0 $0xC400;
	s5 =	sadd.s32 @!p0 $0x680, s2;
	[sflag:s7] =	ssyncadd.s32 $0xFFFFE000  }
0xf2: {  	[tilespmem:s6], [sflag:$0x4] =	stream.indirect.gather @!p0 [hbm4b:s4+s3], $0x40, s5, s3, $0xb8;
	[tilespmem:$0x1A400] =	vst v63  }
0xf3: {  	_ =	swait.ge [sflag:s1], $0x2000  }
0xf4: {  	s20 =	rddreg [dreg:$0x8];
	[sflag:s1] =	ssyncset.done $0x0  }
0xf5: {  	s23 =	simm.s32 $0xE400;
	[sflag:s1] =	ssyncadd.s32 $0xFFFFE000;
	s5 =	sadd.s32 s21, s20  }
0xf6: {  	[hbm4b:s5+s28] =	stream.strided.scatter [tilespmem:s23], [sflag:$0xB], $0x2000, s8, s28, $0x38;
	[tilespmem:$0x1A400] =	vst v63  }
0xf7: {  	_ =	swait.ge [sflag:s7], $0x2000  }
0xf8: {  	[sflag:s7] =	ssyncset.done $0x0  }
0xf9: {  	s6 =	simm.s32 @!p0 $0xE400;
	s5 =	sadd.s32 @!p0 $0x700, s2;
	[sflag:s7] =	ssyncadd.s32 $0xFFFFE000  }
0xfa: {  	[tilespmem:s6], [sflag:$0x5] =	stream.indirect.gather @!p0 [hbm4b:s4+s3], $0x40, s5, s3, $0xb8;
	[tilespmem:$0x1A400] =	vst v63  }
0xfb: {  	_ =	swait.ge [sflag:s0], $0x2000  }
0xfc: {  	s6 =	rddreg [dreg:$0x7];
	[sflag:s0] =	ssyncset.done $0x0  }
0xfd: {  	s9 =	simm.s32 $0x10400;
	[sflag:s0] =	ssyncadd.s32 $0xFFFFE000;
	s5 =	sadd.s32 s21, s6  }
0xfe: {  	[hbm4b:s5+s28] =	stream.strided.scatter [tilespmem:s9], [sflag:$0xB], $0x2000, s8, s28, $0x38;
	[tilespmem:$0x1A400] =	vst v63  }
0xff: {  	_ =	swait.ge [sflag:s7], $0x2000  }
0x100: {  	[sflag:s7] =	ssyncset.done $0x0  }
0x101: {  	s6 =	simm.s32 @!p0 $0x10400;
	s5 =	sadd.s32 @!p0 $0x780, s2;
	[sflag:s7] =	ssyncadd.s32 $0xFFFFE000  }
0x102: {  	[tilespmem:s6], [sflag:$0x6] =	stream.indirect.gather @!p0 [hbm4b:s4+s3], $0x40, s5, s3, $0xb8;
	[tilespmem:$0x1A400] =	vst v63  }
0x103: {  	_ =	swait.ge [sflag:s11], $0x2000  }
0x104: {  	s10 =	rddreg [dreg:$0x6];
	[sflag:s11] =	ssyncset.done $0x0  }
0x105: {  	s12 =	simm.s32 $0x12400;
	[sflag:s11] =	ssyncadd.s32 $0xFFFFE000;
	s5 =	sadd.s32 s21, s10  }
0x106: {  	[hbm4b:s5+s28] =	stream.strided.scatter [tilespmem:s12], [sflag:$0xB], $0x2000, s8, s28, $0x38;
	[tilespmem:$0x1A400] =	vst v63  }
0x107: {  	_ =	swait.ge [sflag:s7], $0x2000  }
0x108: {  	[sflag:s7] =	ssyncset.done $0x0  }
0x109: {  	s6 =	simm.s32 @!p0 $0x12400;
	s5 =	sadd.s32 @!p0 $0x800, s2;
	[sflag:s7] =	ssyncadd.s32 $0xFFFFE000  }
0x10a: {  	[tilespmem:s6], [sflag:$0x7] =	stream.indirect.gather @!p0 [hbm4b:s4+s3], $0x40, s5, s3, $0xb8;
	[tilespmem:$0x1A400] =	vst v63  }
0x10b: {  	_ =	swait.ge [sflag:s13], $0x2000  }
0x10c: {  	s14 =	rddreg [dreg:$0x5];
	[sflag:s13] =	ssyncset.done $0x0  }
0x10d: {  	s16 =	simm.s32 $0x14400;
	[sflag:s13] =	ssyncadd.s32 $0xFFFFE000;
	s5 =	sadd.s32 s21, s14  }
0x10e: {  	[hbm4b:s5+s28] =	stream.strided.scatter [tilespmem:s16], [sflag:$0xB], $0x2000, s8, s28, $0x38;
	[tilespmem:$0x1A400] =	vst v63  }
0x10f: {  	_ =	swait.ge [sflag:s7], $0x2000  }
0x110: {  	[sflag:s7] =	ssyncset.done $0x0  }
0x111: {  	s6 =	simm.s32 @!p0 $0x14400;
	s5 =	sadd.s32 @!p0 $0x880, s2;
	[sflag:s7] =	ssyncadd.s32 $0xFFFFE000  }
0x112: {  	[tilespmem:s6], [sflag:$0x8] =	stream.indirect.gather @!p0 [hbm4b:s4+s3], $0x40, s5, s3, $0xb8;
	[tilespmem:$0x1A400] =	vst v63  }
0x113: {  	_ =	swait.ge [sflag:s15], $0x2000  }
0x114: {  	s18 =	rddreg [dreg:$0x4];
	[sflag:s15] =	ssyncset.done $0x0  }
0x115: {  	s19 =	simm.s32 $0x16400;
	[sflag:s15] =	ssyncadd.s32 $0xFFFFE000;
	s5 =	sadd.s32 s21, s18  }
0x116: {  	[hbm4b:s5+s28] =	stream.strided.scatter [tilespmem:s19], [sflag:$0xB], $0x2000, s8, s28, $0x38;
	[tilespmem:$0x1A400] =	vst v63  }
0x117: {  	_ =	swait.ge [sflag:s7], $0x2000  }
0x118: {  	[sflag:s7] =	ssyncset.done $0x0  }
0x119: {  	s2 =	sadd.s32 @!p0 $0x900, s2;
	s5 =	simm.s32 @!p0 $0x16400;
	[sflag:s7] =	ssyncadd.s32 $0xFFFFE000  }
0x11a: {  	[tilespmem:s5], [sflag:$0x9] =	stream.indirect.gather @!p0 [hbm4b:s4+s3], $0x40, s2, s3, $0xb8;
	[tilespmem:$0x1A400] =	vst v63  }
0x11b: {  	_ =	swait.ge [sflag:s17], $0x2000  }
0x11c: {  	s20 =	rddreg [dreg:$0xd];
	[sflag:s17] =	ssyncset.done $0x0  }
0x11d: {  	s2 =	sadd.s32 s21, s20;
	[sflag:s17] =	ssyncadd.s32 $0xFFFFE000  }
0x11e: {  	[hbm4b:s2+s28] =	stream.strided.scatter [tilespmem:s25], [sflag:$0xB], $0x2000, s8, s28, $0x38;
	[tilespmem:$0x1A400] =	vst v63  }
0x11f: {  	_ =	swait.ge [sflag:s7], $0x2000  }
0x120: {  	s21 =	rddreg [dreg:$0x10]  }
0x121: {  	s23 =	rddreg [dreg:$0xf];
	s3 =	sadd.s32 $0x1, s21  }
0x122: {  	p0 =	sne.s32 s3, s23  }
.Ltmp1:
0x123: {  	_ = 	snop;
	(pc) =	sbr.rel @p0 .LBB2_1-.Ltmp1, $3  }
0x124: {  	_ =	sdelay $0x1  }
0x125: {  	[sflag:s7] =	ssyncset.done $0x0  }
0x126: {  	[sflag:s7] =	ssyncadd.s32 $0xFFFFE000  }
0x127: {  	_ =	sfence.sel $0x180000  }
0x128: {  	[bflag:$0x0] =	sbarrier.arrive $0xFFFF  }
0x129: {  	_ =	strace $0x90000047  }
0x12a: {  	s0 =	stileid.u32;
	[bflag:$0x2] =	sbarrier.arrive $0xFFFF  }
0x12b: {  	p0 =	sne.s32 s0, $0x0;
	s0 =	rddreg [dreg:$0x3]  }
0x12c: {  	s0 =	sadd.s32 @!p0 $0x100000, s0  }
0x12d: {  	[sflag:s0] =	ssyncadd.tile.s32 @!p0 $0x1;
	_ =	shalt  }
.Lfunc_end2:
_tile_overlayer_lowered:
.L_overlay_start_2:
0x12e: {  	(tag) =	ssettag $0x2  }
0x12f: {  	s0 =	rddreg [dreg:$0x0];
	s2 =	stileid.u32  }
0x130: {  	s1 =	rddreg [dreg:$0x1];
	p0 =	sne.s32 s2, $0x0  }
0x131: {  	s3 =	rddreg [dreg:$0x2];
	[bflag:$0x3] =	sbarrier.arrive $0xFFFF;
	s2 =	simm.s32 @!p0 $0x1C0B  }
0x132: {  	[timem:s3], [sflag:s2] =	dma.local @!p0 [hbm:s0], s1  }
0x133: {  	s0 =	simm.s32 @!p0 $0xB  }
0x134: {  	_ =	swait.ge @!p0 [sflag:s0], s1  }
0x135: {  	s1 =	ssub.s32 @!p0 $0x0, s1;
	[sflag:s0] =	ssyncset.done @!p0 $0x0  }
0x136: {  	[sflag:s0] =	ssyncadd.s32 @!p0 s1  }
0x137: {  	[bflag:$0x3] =	sbarrier.arrive $0xFFFF  }
0x138: {  	_ =	shalt  }

</sc_bundles>
